<compile_context>
chip_gen: v7x
topology: tpu7x:2x2x1
jax: 0.10.2.dev20260603
libtpu: 0.0.44.dev20260713+nightly
codegen_flags: <defaults>
</compile_context>

<pallas_src>
import functools

import jax
import jax.numpy as jnp
from jax import lax
from jax.experimental import pallas as pl
from jax.experimental.pallas import tpu as pltpu
from jax.experimental.pallas import tpu_sc as plsc

VOCAB = 100000
B, L, D = 4, 4096, 1024
N = B * L
NSHARD = 8
SHARD = 12504
SHARD_LAST = VOCAB - 7 * SHARD
BUFSZ = 12544
LANES = 16
MIN_ID = 4
SENTINEL = BUFSZ + 1


def _matvec_body(h_ref, w_ref, b_ref, ids_ref, tw_ref, oid_ref):
    acc = jnp.dot(h_ref[...], w_ref[...], preferred_element_type=jnp.float32)
    tw_ref[...] = jnp.maximum(acc + b_ref[0, 0], 0.0).reshape(tw_ref.shape)
    i = pl.program_id(0)
    ids_blk = ids_ref[i // 2, pl.ds((i % 2) * 2048, 2048)]
    oid_ref[...] = ids_blk.reshape(oid_ref.shape)


def _token_weights(hs2d, W, b2d, ids2d):
    blk = 2048
    return pl.pallas_call(
        _matvec_body,
        grid=(N // blk,),
        in_specs=[
            pl.BlockSpec((blk, D), lambda i: (i, 0)),
            pl.BlockSpec((D, 1), lambda i: (0, 0)),
            pl.BlockSpec((1, 1), lambda i: (0, 0)),
            pl.BlockSpec((B, L), lambda i: (0, 0)),
        ],
        out_specs=[
            pl.BlockSpec((blk,), lambda i: (i,)),
            pl.BlockSpec((blk,), lambda i: (i,)),
        ],
        out_shape=[
            jax.ShapeDtypeStruct((N,), jnp.float32),
            jax.ShapeDtypeStruct((N,), jnp.int32),
        ],
    )(hs2d, W, b2d, ids2d)


_MESH = plsc.VectorSubcoreMesh(core_axis_name="c", subcore_axis_name="s")


@functools.partial(
    pl.kernel,
    out_type=jax.ShapeDtypeStruct((B * VOCAB,), jnp.float32),
    mesh=_MESH,
    compiler_params=pltpu.CompilerParams(needs_layout_passes=False),
    scratch_types=[
        pltpu.VMEM((L,), jnp.int32),
        pltpu.VMEM((L,), jnp.float32),
        pltpu.VMEM((BUFSZ,), jnp.float32),
        pltpu.VMEM((L // 2 + LANES,), jnp.int32),
        pltpu.VMEM((L // 2 + LANES,), jnp.float32),
        pltpu.VMEM((L // 2 + LANES,), jnp.int32),
        pltpu.VMEM((L // 2 + LANES,), jnp.float32),
        pltpu.SemaphoreType.DMA,
        pltpu.SemaphoreType.DMA,
    ],
)
def _scatter_max(ids_hbm, tw_hbm, out_hbm, ids_v, tw_v, buf, loff_a, lw_a,
                 loff_b, lw_b, sem_i, sem_w):
    wid = lax.axis_index("s") * 2 + lax.axis_index("c")
    row = wid // NSHARD
    sh = wid % NSHARD
    lo = sh * SHARD
    sw = jnp.where(sh == NSHARD - 1, SHARD_LAST, SHARD)

    cp_i = pltpu.async_copy(ids_hbm.at[pl.ds(row * L, L)], ids_v, sem_i)
    cp_w = pltpu.async_copy(tw_hbm.at[pl.ds(row * L, L)], tw_v, sem_w)

    zeros = jnp.zeros((LANES,), jnp.float32)

    def zero_body(i, _):
        for u in range(16):
            buf[pl.ds(i * (16 * LANES) + u * LANES, LANES)] = zeros
        return 0

    lax.fori_loop(0, BUFSZ // (16 * LANES), zero_body, 0)
    cp_i.wait()
    cp_w.wait()

    def compact_one(g, loff, lw, cnt):
        ids = ids_v[pl.ds(g * LANES, LANES)]
        w = tw_v[pl.ds(g * LANES, LANES)]
        off = ids - lo
        m = (off >= 0) & (off < sw) & (ids >= MIN_ID)
        plsc.store_compressed(loff.at[pl.ds(cnt, LANES)], off, mask=m)
        plsc.store_compressed(lw.at[pl.ds(cnt, LANES)], w, mask=m)
        return cnt + plsc.all_reduce_population_count(m)[0]

    def compact_body(g2, c):
        ca = compact_one(g2 * 2, loff_a, lw_a, c[0])
        cb = compact_one(g2 * 2 + 1, loff_b, lw_b, c[1])
        return (ca, cb)

    cnt_a, cnt_b = lax.fori_loop(
        0, L // (2 * LANES), compact_body, (jnp.int32(0), jnp.int32(0)))
    sent = jnp.full((LANES,), SENTINEL, jnp.int32)
    loff_a[pl.ds(cnt_a, LANES)] = sent
    loff_b[pl.ds(cnt_b, LANES)] = sent

    lane = lax.iota(jnp.int32, LANES)

    def make_group_body(loff, lw):
      def group_body(g, _):
        key = loff[pl.ds(g * LANES, LANES)]
        w = lw[pl.ds(g * LANES, LANES)]
        k_s, w_s = lax.sort((key, w), num_keys=1)
        for step in (1, 2, 4, 8):
            idx = jnp.maximum(lane - step, 0)
            k_p = k_s.at[idx].get(mode="promise_in_bounds")
            w_p = w_s.at[idx].get(mode="promise_in_bounds")
            w_s = jnp.where(k_p == k_s, jnp.maximum(w_s, w_p), w_s)
        k_n = k_s.at[jnp.minimum(lane + 1, LANES - 1)].get(
            mode="promise_in_bounds")
        is_last = (k_n != k_s) | (lane == LANES - 1)
        store_m = is_last & (k_s < SENTINEL)
        offc = jnp.minimum(k_s, BUFSZ - 1)
        cur = plsc.load_gather(buf, [offc], mask=store_m)
        plsc.store_scatter(buf, [offc], jnp.maximum(cur, w_s), mask=store_m)
        return 0

      return group_body

    lax.fori_loop(0, (cnt_a + LANES - 1) // LANES,
                  make_group_body(loff_a, lw_a), 0)
    lax.fori_loop(0, (cnt_b + LANES - 1) // LANES,
                  make_group_body(loff_b, lw_b), 0)

    base = row * VOCAB + lo
    pltpu.sync_copy(
        buf.at[pl.ds(0, SHARD_LAST)], out_hbm.at[pl.ds(base, SHARD_LAST)])

    @pl.when(sh < NSHARD - 1)
    def _():
        pltpu.sync_copy(
            buf.at[pl.ds(SHARD_LAST, SHARD - SHARD_LAST)],
            out_hbm.at[pl.ds(base + SHARD_LAST, SHARD - SHARD_LAST)],
        )


def kernel(hidden_state, input_ids, W, b):
    hs2d = hidden_state.reshape(N, D)
    tw, ids_flat = _token_weights(hs2d, W, b.reshape(1, 1), input_ids)
    out = _scatter_max(ids_flat, tw)
    return out.reshape(B, VOCAB)

# --- scband reference (transcript-rebuilt; emitter-appended) ---
"""Pipeline reference for scband-sparse-head-76287209111738 (READ-ONLY COPY).

The authoritative reference and input builder live on the scoring server;
editing this copy changes nothing except your own understanding.
"""

import jax, jax.numpy as jnp
import numpy as np

VOCAB_SIZE = 100000
UNUSED_TOKENS = (0, 1, 2, 3)  # cls_id, eos_id, pad_id, unk_tid


def setup_inputs(seed: int = 0) -> dict:
    key = jax.random.key(seed)
    k1, k2, k3, k4 = jax.random.split(key, 4)
    B, L, D = 4, 4096, 1024
    hidden_state = jax.random.normal(k1, (B, L, D), dtype=jnp.float32)
    input_ids = jax.random.randint(k2, (B, L), 0, VOCAB_SIZE, dtype=jnp.int32)
    # fcn = Linear(in_features=1024, out_features=1) followed by ReLU (mode='la')
    W = jax.random.normal(k3, (D, 1), dtype=jnp.float32) * 0.02
    b = jnp.zeros((1,), dtype=jnp.float32)
    return {"hidden_state": hidden_state, "input_ids": input_ids, "W": W, "b": b}


def reference(hidden_state, input_ids, W, b):
    # token_weights = self.fcn(hidden_state)  -> Linear + ReLU activation
    token_weights = jax.nn.relu(jnp.einsum('bld,do->blo', hidden_state, W) + b)  # [B, L, 1]
    src = token_weights[..., 0]  # [B, L]
    B, L = input_ids.shape
    # eval path: embedding = zeros(B, vocab).scatter_reduce(-1, input_ids, src, reduce='amax')
    rows = jnp.broadcast_to(jnp.arange(B)[:, None], (B, L))
    embedding = jnp.zeros((B, VOCAB_SIZE), dtype=src.dtype)
    embedding = embedding.at[rows, input_ids].max(src)  # include_self=True with zeros base; ReLU >= 0
    # embedding[:, unused_tokens] *= 0.0
    embedding = embedding.at[:, jnp.array(UNUSED_TOKENS)].multiply(0.0)
    return embedding

if __name__ == "__main__":
    import jax
    _d = setup_inputs()
    print(jax.jit(kernel)(*tuple(_d.values())))

</pallas_src>

<mosaic_0001>
#map = affine_map<(d0, d1) -> (0)>
module attributes {stable_mosaic.version = 14 : i64} {
  func.func @_scatter_max(%arg0: i32, %arg1: i32, %arg2: memref<16384xi32, #tpu.memory_space<hbm>>, %arg3: memref<16384xf32, #tpu.memory_space<hbm>>, %arg4: memref<400000xf32, #tpu.memory_space<hbm>>, %arg5: memref<4096xi32, #tpu.memory_space<vmem>>, %arg6: memref<4096xf32, #tpu.memory_space<vmem>>, %arg7: memref<12544xf32, #tpu.memory_space<vmem>>, %arg8: memref<2064xi32, #tpu.memory_space<vmem>>, %arg9: memref<2064xf32, #tpu.memory_space<vmem>>, %arg10: memref<2064xi32, #tpu.memory_space<vmem>>, %arg11: memref<2064xf32, #tpu.memory_space<vmem>>, %arg12: memref<!tpu.dma_semaphore, #tpu.memory_space<semaphore_mem>>, %arg13: memref<!tpu.dma_semaphore, #tpu.memory_space<semaphore_mem>>) attributes {dimension_semantics = [#tpu.dimension_semantics<core_parallel>, #tpu.dimension_semantics<subcore_parallel>], iteration_bounds = array<i64: 2, 16>, scalar_prefetch = 0 : i64, scratch_operands = 9 : i64, tpu.core_type = #tpu.core_type<sc_vector_subcore>, window_params = [{transform_indices = #map}, {transform_indices = #map}, {transform_indices = #map}]} {
    %mul3A = arith.constant 2 : i32
    %mul3A_0 = arith.muli %arg1, %mul3A : i32
    %add3A = arith.addi %mul3A_0, %arg0 : i32
    %jit3A = arith.constant 8 : i32
    %div3A = arith.divsi %add3A, %jit3A : i32
    %sign3A = arith.constant 0 : i32
    %sign3A_1 = arith.cmpi sgt, %add3A, %sign3A : i32
    %sign3A_2 = arith.extui %sign3A_1 : i1 to i32
    %sign3A_3 = arith.constant 0 : i32
    %sign3A_4 = arith.cmpi slt, %add3A, %sign3A_3 : i32
    %sign3A_5 = arith.extui %sign3A_4 : i1 to i32
    %sign3A_6 = arith.subi %sign3A_2, %sign3A_5 : i32
    %sign3A_7 = arith.constant 0 : i32
    %sign3A_8 = arith.cmpi sgt, %jit3A, %sign3A_7 : i32
    %sign3A_9 = arith.extui %sign3A_8 : i1 to i32
    %sign3A_10 = arith.constant 0 : i32
    %sign3A_11 = arith.cmpi slt, %jit3A, %sign3A_10 : i32
    %sign3A_12 = arith.extui %sign3A_11 : i1 to i32
    %sign3A_13 = arith.subi %sign3A_9, %sign3A_12 : i32
    %ne3A = arith.cmpi ne, %sign3A_6, %sign3A_13 : i32
    %rem3A = arith.remsi %add3A, %jit3A : i32
    %ne3A_14 = arith.constant 0 : i32
    %ne3A_15 = arith.cmpi ne, %rem3A, %ne3A_14 : i32
    %and3A = arith.andi %ne3A, %ne3A_15 : i1
    %sub3A = arith.constant 1 : i32
    %sub3A_16 = arith.subi %div3A, %sub3A : i32
    %select_n3A = arith.select %and3A, %sub3A_16, %div3A : i32
    %jit3A_17 = arith.constant 8 : i32
    %eq3A = arith.constant 0 : i32
    %eq3A_18 = arith.cmpi eq, %jit3A_17, %eq3A : i32
    %jit3A_19 = arith.constant 1 : i32
    %select_n3A_20 = arith.select %eq3A_18, %jit3A_19, %jit3A_17 : i32
    %rem3A_21 = arith.remsi %add3A, %select_n3A_20 : i32
    %ne3A_22 = arith.constant 0 : i32
    %ne3A_23 = arith.cmpi ne, %rem3A_21, %ne3A_22 : i32
    %lt3A = arith.constant 0 : i32
    %lt3A_24 = arith.cmpi slt, %rem3A_21, %lt3A : i32
    %lt3A_25 = arith.constant 0 : i32
    %lt3A_26 = arith.cmpi slt, %select_n3A_20, %lt3A_25 : i32
    %ne3A_27 = arith.xori %lt3A_24, %lt3A_26 : i1
    %and3A_28 = arith.andi %ne3A_27, %ne3A_23 : i1
    %add3A_29 = arith.addi %rem3A_21, %select_n3A_20 : i32
    %select_n3A_30 = arith.select %and3A_28, %add3A_29, %rem3A_21 : i32
    %mul3A_31 = arith.constant 12504 : i32
    %mul3A_32 = arith.muli %select_n3A_30, %mul3A_31 : i32
    %eq3A_33 = arith.constant 7 : i32
    %eq3A_34 = arith.cmpi eq, %select_n3A_30, %eq3A_33 : i32
    %jit3A_35 = arith.constant 12472 : i32
    %jit3A_36 = arith.constant 12504 : i32
    %select_n3A_37 = arith.select %eq3A_34, %jit3A_35, %jit3A_36 : i32
    %mul3A_38 = arith.constant 4096 : i32
    %mul3A_39 = arith.muli %select_n3A, %mul3A_38 : i32
    %dma_start3A = tpu.memref_slice %arg2[%mul3A_39] : memref<16384xi32, #tpu.memory_space<hbm>> -> memref<4096xi32, #tpu.memory_space<hbm>>
    %dma_start3A_40 = tpu.memref_slice %arg2[%mul3A_39] : memref<16384xi32, #tpu.memory_space<hbm>> -> memref<4096xi32, #tpu.memory_space<hbm>>
    tpu.enqueue_dma source(%dma_start3A_40 : memref<4096xi32, #tpu.memory_space<hbm>>) target(%arg5 : memref<4096xi32, #tpu.memory_space<vmem>>) target_semaphore(%arg12 : memref<!tpu.dma_semaphore, #tpu.memory_space<semaphore_mem>>)
    %mul3A_41 = arith.constant 4096 : i32
    %mul3A_42 = arith.muli %select_n3A, %mul3A_41 : i32
    %dma_start3A_43 = tpu.memref_slice %arg3[%mul3A_42] : memref<16384xf32, #tpu.memory_space<hbm>> -> memref<4096xf32, #tpu.memory_space<hbm>>
    %dma_start3A_44 = tpu.memref_slice %arg3[%mul3A_42] : memref<16384xf32, #tpu.memory_space<hbm>> -> memref<4096xf32, #tpu.memory_space<hbm>>
    tpu.enqueue_dma source(%dma_start3A_44 : memref<4096xf32, #tpu.memory_space<hbm>>) target(%arg6 : memref<4096xf32, #tpu.memory_space<vmem>>) target_semaphore(%arg13 : memref<!tpu.dma_semaphore, #tpu.memory_space<semaphore_mem>>)
    %broadcast_in_dim3A = arith.constant 0.000000e+00 : f32
    %broadcast_in_dim3A_45 = vector.broadcast %broadcast_in_dim3A : f32 to vector<16xf32>
    %scan3A = arith.constant 0 : i32
    %scan3A_46 = arith.constant 0 : i32
    %scan3A_47 = arith.constant 49 : i32
    %scan3A_48 = arith.addi %scan3A_46, %scan3A_47 : i32
    %scan3A_49 = arith.constant 1 : i32
    %scan3A_50 = scf.for %scan3A_153 = %scan3A_46 to %scan3A_48 step %scan3A_49 iter_args(%scan3A_154 = %scan3A) -> (i32)  : i32 {
      %mul3A_155 = arith.constant 256 : i32
      %mul3A_156 = arith.muli %scan3A_153, %mul3A_155 : i32
      %add3A_157 = arith.constant 0 : i32
      %add3A_158 = arith.addi %mul3A_156, %add3A_157 : i32
      %swap3A_159 = arith.index_cast %add3A_158 : i32 to index
      %swap3A_160 = tpu.vector_load %arg7[%swap3A_159] {strides = array<i32>} : memref<12544xf32, #tpu.memory_space<vmem>>, vector<16xf32>,
      tpu.vector_store %arg7[%swap3A_159], %broadcast_in_dim3A_45 {strides = array<i32>} : memref<12544xf32, #tpu.memory_space<vmem>>, vector<16xf32>,
      %mul3A_161 = arith.constant 256 : i32
      %mul3A_162 = arith.muli %scan3A_153, %mul3A_161 : i32
      %add3A_163 = arith.constant 16 : i32
      %add3A_164 = arith.addi %mul3A_162, %add3A_163 : i32
      %swap3A_165 = arith.index_cast %add3A_164 : i32 to index
      %swap3A_166 = tpu.vector_load %arg7[%swap3A_165] {strides = array<i32>} : memref<12544xf32, #tpu.memory_space<vmem>>, vector<16xf32>,
      tpu.vector_store %arg7[%swap3A_165], %broadcast_in_dim3A_45 {strides = array<i32>} : memref<12544xf32, #tpu.memory_space<vmem>>, vector<16xf32>,
      %mul3A_167 = arith.constant 256 : i32
      %mul3A_168 = arith.muli %scan3A_153, %mul3A_167 : i32
      %add3A_169 = arith.constant 32 : i32
      %add3A_170 = arith.addi %mul3A_168, %add3A_169 : i32
      %swap3A_171 = arith.index_cast %add3A_170 : i32 to index
      %swap3A_172 = tpu.vector_load %arg7[%swap3A_171] {strides = array<i32>} : memref<12544xf32, #tpu.memory_space<vmem>>, vector<16xf32>,
      tpu.vector_store %arg7[%swap3A_171], %broadcast_in_dim3A_45 {strides = array<i32>} : memref<12544xf32, #tpu.memory_space<vmem>>, vector<16xf32>,
      %mul3A_173 = arith.constant 256 : i32
      %mul3A_174 = arith.muli %scan3A_153, %mul3A_173 : i32
      %add3A_175 = arith.constant 48 : i32
      %add3A_176 = arith.addi %mul3A_174, %add3A_175 : i32
      %swap3A_177 = arith.index_cast %add3A_176 : i32 to index
      %swap3A_178 = tpu.vector_load %arg7[%swap3A_177] {strides = array<i32>} : memref<12544xf32, #tpu.memory_space<vmem>>, vector<16xf32>,
      tpu.vector_store %arg7[%swap3A_177], %broadcast_in_dim3A_45 {strides = array<i32>} : memref<12544xf32, #tpu.memory_space<vmem>>, vector<16xf32>,
      %mul3A_179 = arith.constant 256 : i32
      %mul3A_180 = arith.muli %scan3A_153, %mul3A_179 : i32
      %add3A_181 = arith.constant 64 : i32
      %add3A_182 = arith.addi %mul3A_180, %add3A_181 : i32
      %swap3A_183 = arith.index_cast %add3A_182 : i32 to index
      %swap3A_184 = tpu.vector_load %arg7[%swap3A_183] {strides = array<i32>} : memref<12544xf32, #tpu.memory_space<vmem>>, vector<16xf32>,
      tpu.vector_store %arg7[%swap3A_183], %broadcast_in_dim3A_45 {strides = array<i32>} : memref<12544xf32, #tpu.memory_space<vmem>>, vector<16xf32>,
      %mul3A_185 = arith.constant 256 : i32
      %mul3A_186 = arith.muli %scan3A_153, %mul3A_185 : i32
      %add3A_187 = arith.constant 80 : i32
      %add3A_188 = arith.addi %mul3A_186, %add3A_187 : i32
      %swap3A_189 = arith.index_cast %add3A_188 : i32 to index
      %swap3A_190 = tpu.vector_load %arg7[%swap3A_189] {strides = array<i32>} : memref<12544xf32, #tpu.memory_space<vmem>>, vector<16xf32>,
      tpu.vector_store %arg7[%swap3A_189], %broadcast_in_dim3A_45 {strides = array<i32>} : memref<12544xf32, #tpu.memory_space<vmem>>, vector<16xf32>,
      %mul3A_191 = arith.constant 256 : i32
      %mul3A_192 = arith.muli %scan3A_153, %mul3A_191 : i32
      %add3A_193 = arith.constant 96 : i32
      %add3A_194 = arith.addi %mul3A_192, %add3A_193 : i32
      %swap3A_195 = arith.index_cast %add3A_194 : i32 to index
      %swap3A_196 = tpu.vector_load %arg7[%swap3A_195] {strides = array<i32>} : memref<12544xf32, #tpu.memory_space<vmem>>, vector<16xf32>,
      tpu.vector_store %arg7[%swap3A_195], %broadcast_in_dim3A_45 {strides = array<i32>} : memref<12544xf32, #tpu.memory_space<vmem>>, vector<16xf32>,
      %mul3A_197 = arith.constant 256 : i32
      %mul3A_198 = arith.muli %scan3A_153, %mul3A_197 : i32
      %add3A_199 = arith.constant 112 : i32
      %add3A_200 = arith.addi %mul3A_198, %add3A_199 : i32
      %swap3A_201 = arith.index_cast %add3A_200 : i32 to index
      %swap3A_202 = tpu.vector_load %arg7[%swap3A_201] {strides = array<i32>} : memref<12544xf32, #tpu.memory_space<vmem>>, vector<16xf32>,
      tpu.vector_store %arg7[%swap3A_201], %broadcast_in_dim3A_45 {strides = array<i32>} : memref<12544xf32, #tpu.memory_space<vmem>>, vector<16xf32>,
      %mul3A_203 = arith.constant 256 : i32
      %mul3A_204 = arith.muli %scan3A_153, %mul3A_203 : i32
      %add3A_205 = arith.constant 128 : i32
      %add3A_206 = arith.addi %mul3A_204, %add3A_205 : i32
      %swap3A_207 = arith.index_cast %add3A_206 : i32 to index
      %swap3A_208 = tpu.vector_load %arg7[%swap3A_207] {strides = array<i32>} : memref<12544xf32, #tpu.memory_space<vmem>>, vector<16xf32>,
      tpu.vector_store %arg7[%swap3A_207], %broadcast_in_dim3A_45 {strides = array<i32>} : memref<12544xf32, #tpu.memory_space<vmem>>, vector<16xf32>,
      %mul3A_209 = arith.constant 256 : i32
      %mul3A_210 = arith.muli %scan3A_153, %mul3A_209 : i32
      %add3A_211 = arith.constant 144 : i32
      %add3A_212 = arith.addi %mul3A_210, %add3A_211 : i32
      %swap3A_213 = arith.index_cast %add3A_212 : i32 to index
      %swap3A_214 = tpu.vector_load %arg7[%swap3A_213] {strides = array<i32>} : memref<12544xf32, #tpu.memory_space<vmem>>, vector<16xf32>,
      tpu.vector_store %arg7[%swap3A_213], %broadcast_in_dim3A_45 {strides = array<i32>} : memref<12544xf32, #tpu.memory_space<vmem>>, vector<16xf32>,
      %mul3A_215 = arith.constant 256 : i32
      %mul3A_216 = arith.muli %scan3A_153, %mul3A_215 : i32
      %add3A_217 = arith.constant 160 : i32
      %add3A_218 = arith.addi %mul3A_216, %add3A_217 : i32
      %swap3A_219 = arith.index_cast %add3A_218 : i32 to index
      %swap3A_220 = tpu.vector_load %arg7[%swap3A_219] {strides = array<i32>} : memref<12544xf32, #tpu.memory_space<vmem>>, vector<16xf32>,
      tpu.vector_store %arg7[%swap3A_219], %broadcast_in_dim3A_45 {strides = array<i32>} : memref<12544xf32, #tpu.memory_space<vmem>>, vector<16xf32>,
      %mul3A_221 = arith.constant 256 : i32
      %mul3A_222 = arith.muli %scan3A_153, %mul3A_221 : i32
      %add3A_223 = arith.constant 176 : i32
      %add3A_224 = arith.addi %mul3A_222, %add3A_223 : i32
      %swap3A_225 = arith.index_cast %add3A_224 : i32 to index
      %swap3A_226 = tpu.vector_load %arg7[%swap3A_225] {strides = array<i32>} : memref<12544xf32, #tpu.memory_space<vmem>>, vector<16xf32>,
      tpu.vector_store %arg7[%swap3A_225], %broadcast_in_dim3A_45 {strides = array<i32>} : memref<12544xf32, #tpu.memory_space<vmem>>, vector<16xf32>,
      %mul3A_227 = arith.constant 256 : i32
      %mul3A_228 = arith.muli %scan3A_153, %mul3A_227 : i32
      %add3A_229 = arith.constant 192 : i32
      %add3A_230 = arith.addi %mul3A_228, %add3A_229 : i32
      %swap3A_231 = arith.index_cast %add3A_230 : i32 to index
      %swap3A_232 = tpu.vector_load %arg7[%swap3A_231] {strides = array<i32>} : memref<12544xf32, #tpu.memory_space<vmem>>, vector<16xf32>,
      tpu.vector_store %arg7[%swap3A_231], %broadcast_in_dim3A_45 {strides = array<i32>} : memref<12544xf32, #tpu.memory_space<vmem>>, vector<16xf32>,
      %mul3A_233 = arith.constant 256 : i32
      %mul3A_234 = arith.muli %scan3A_153, %mul3A_233 : i32
      %add3A_235 = arith.constant 208 : i32
      %add3A_236 = arith.addi %mul3A_234, %add3A_235 : i32
      %swap3A_237 = arith.index_cast %add3A_236 : i32 to index
      %swap3A_238 = tpu.vector_load %arg7[%swap3A_237] {strides = array<i32>} : memref<12544xf32, #tpu.memory_space<vmem>>, vector<16xf32>,
      tpu.vector_store %arg7[%swap3A_237], %broadcast_in_dim3A_45 {strides = array<i32>} : memref<12544xf32, #tpu.memory_space<vmem>>, vector<16xf32>,
      %mul3A_239 = arith.constant 256 : i32
      %mul3A_240 = arith.muli %scan3A_153, %mul3A_239 : i32
      %add3A_241 = arith.constant 224 : i32
      %add3A_242 = arith.addi %mul3A_240, %add3A_241 : i32
      %swap3A_243 = arith.index_cast %add3A_242 : i32 to index
      %swap3A_244 = tpu.vector_load %arg7[%swap3A_243] {strides = array<i32>} : memref<12544xf32, #tpu.memory_space<vmem>>, vector<16xf32>,
      tpu.vector_store %arg7[%swap3A_243], %broadcast_in_dim3A_45 {strides = array<i32>} : memref<12544xf32, #tpu.memory_space<vmem>>, vector<16xf32>,
      %mul3A_245 = arith.constant 256 : i32
      %mul3A_246 = arith.muli %scan3A_153, %mul3A_245 : i32
      %add3A_247 = arith.constant 240 : i32
      %add3A_248 = arith.addi %mul3A_246, %add3A_247 : i32
      %swap3A_249 = arith.index_cast %add3A_248 : i32 to index
      %swap3A_250 = tpu.vector_load %arg7[%swap3A_249] {strides = array<i32>} : memref<12544xf32, #tpu.memory_space<vmem>>, vector<16xf32>,
      tpu.vector_store %arg7[%swap3A_249], %broadcast_in_dim3A_45 {strides = array<i32>} : memref<12544xf32, #tpu.memory_space<vmem>>, vector<16xf32>,
      %scan3A_251 = arith.constant 0 : i32
      scf.yield %scan3A_251 : i32
    }
    %scan3A_51 = arith.constant 49 : i32
    %dma_wait3A = tpu.memref_slice %arg2[%mul3A_39] : memref<16384xi32, #tpu.memory_space<hbm>> -> memref<4096xi32, #tpu.memory_space<hbm>>
    %dma_wait3A_52 = tpu.memref_slice %arg2[%mul3A_39] : memref<16384xi32, #tpu.memory_space<hbm>> -> memref<4096xi32, #tpu.memory_space<hbm>>
    tpu.wait_dma2 semaphore(%arg12 : memref<!tpu.dma_semaphore, #tpu.memory_space<semaphore_mem>>) src(%dma_wait3A_52 : memref<4096xi32, #tpu.memory_space<hbm>>) dst(%arg5 : memref<4096xi32, #tpu.memory_space<vmem>>)
    %dma_wait3A_53 = tpu.memref_slice %arg3[%mul3A_42] : memref<16384xf32, #tpu.memory_space<hbm>> -> memref<4096xf32, #tpu.memory_space<hbm>>
    %dma_wait3A_54 = tpu.memref_slice %arg3[%mul3A_42] : memref<16384xf32, #tpu.memory_space<hbm>> -> memref<4096xf32, #tpu.memory_space<hbm>>
    tpu.wait_dma2 semaphore(%arg13 : memref<!tpu.dma_semaphore, #tpu.memory_space<semaphore_mem>>) src(%dma_wait3A_54 : memref<4096xf32, #tpu.memory_space<hbm>>) dst(%arg6 : memref<4096xf32, #tpu.memory_space<vmem>>)
    %scan3A_55 = arith.constant 0 : i32
    %scan3A_56 = arith.constant 0 : i32
    %scan3A_57 = arith.constant 0 : i32
    %scan3A_58 = arith.constant 128 : i32
    %scan3A_59 = arith.addi %scan3A_57, %scan3A_58 : i32
    %scan3A_60 = arith.constant 1 : i32
    %scan3A_61:2 = scf.for %scan3A_153 = %scan3A_57 to %scan3A_59 step %scan3A_60 iter_args(%scan3A_154 = %scan3A_55, %scan3A_155 = %scan3A_56) -> (i32, i32)  : i32 {
      %mul3A_156 = arith.constant 2 : i32
      %mul3A_157 = arith.muli %scan3A_153, %mul3A_156 : i32
      %mul3A_158 = arith.constant 16 : i32
      %mul3A_159 = arith.muli %mul3A_157, %mul3A_158 : i32
      %get3A = arith.index_cast %mul3A_159 : i32 to index
      %get3A_160 = tpu.vector_load %arg5[%get3A] {strides = array<i32>} : memref<4096xi32, #tpu.memory_space<vmem>>, vector<16xi32>,
      %mul3A_161 = arith.constant 16 : i32
      %mul3A_162 = arith.muli %mul3A_157, %mul3A_161 : i32
      %get3A_163 = arith.index_cast %mul3A_162 : i32 to index
      %get3A_164 = tpu.vector_load %arg6[%get3A_163] {strides = array<i32>} : memref<4096xf32, #tpu.memory_space<vmem>>, vector<16xf32>,
      %sub3A_165 = vector.broadcast %mul3A_32 : i32 to vector<16xi32>
      %sub3A_166 = arith.subi %get3A_160, %sub3A_165 : vector<16xi32>
      %ge3A = arith.constant 0 : i32
      %ge3A_167 = vector.broadcast %ge3A : i32 to vector<16xi32>
      %ge3A_168 = arith.cmpi sge, %sub3A_166, %ge3A_167 : vector<16xi32>
      %lt3A_169 = vector.broadcast %select_n3A_37 : i32 to vector<16xi32>
      %lt3A_170 = arith.cmpi slt, %sub3A_166, %lt3A_169 : vector<16xi32>
      %and3A_171 = arith.andi %ge3A_168, %lt3A_170 : vector<16xi1>
      %ge3A_172 = arith.constant 4 : i32
      %ge3A_173 = vector.broadcast %ge3A_172 : i32 to vector<16xi32>
      %ge3A_174 = arith.cmpi sge, %get3A_160, %ge3A_173 : vector<16xi32>
      %and3A_175 = arith.andi %and3A_171, %ge3A_174 : vector<16xi1>
      %swap3A_176 = arith.index_cast %scan3A_154 : i32 to index
      %swap3A_177 = tpu.vector_load %arg8[%swap3A_176] masked %and3A_175 {strides = array<i32>} : memref<2064xi32, #tpu.memory_space<vmem>>, vector<16xi32>, vector<16xi1>
      tpu.vector_store %arg8[%swap3A_176], %sub3A_166 masked %and3A_175 {strides = array<i32>} : memref<2064xi32, #tpu.memory_space<vmem>>, vector<16xi32>, vector<16xi1>
      %swap3A_178 = arith.index_cast %scan3A_154 : i32 to index
      %swap3A_179 = tpu.vector_load %arg9[%swap3A_178] masked %and3A_175 {strides = array<i32>} : memref<2064xf32, #tpu.memory_space<vmem>>, vector<16xf32>, vector<16xi1>
      tpu.vector_store %arg9[%swap3A_178], %get3A_164 masked %and3A_175 {strides = array<i32>} : memref<2064xf32, #tpu.memory_space<vmem>>, vector<16xf32>, vector<16xi1>
      %all_reduce_population_count3A = tpu.all_reduce %and3A_175 {dim = 0 : i64, kind = #tpu.reduction_kind<sum>} : vector<16xi1> -> vector<16xi32>
      %slice3A = vector.extract_strided_slice %all_reduce_population_count3A {offsets = [0], sizes = [1], strides = [1]} : vector<16xi32> to vector<1xi32>
      %squeeze3A = vector.extract %slice3A[0] : i32 from vector<1xi32>
      %add3A_180 = arith.addi %scan3A_154, %squeeze3A : i32
      %mul3A_181 = arith.constant 2 : i32
      %mul3A_182 = arith.muli %scan3A_153, %mul3A_181 : i32
      %add3A_183 = arith.constant 1 : i32
      %add3A_184 = arith.addi %mul3A_182, %add3A_183 : i32
      %mul3A_185 = arith.constant 16 : i32
      %mul3A_186 = arith.muli %add3A_184, %mul3A_185 : i32
      %get3A_187 = arith.index_cast %mul3A_186 : i32 to index
      %get3A_188 = tpu.vector_load %arg5[%get3A_187] {strides = array<i32>} : memref<4096xi32, #tpu.memory_space<vmem>>, vector<16xi32>,
      %mul3A_189 = arith.constant 16 : i32
      %mul3A_190 = arith.muli %add3A_184, %mul3A_189 : i32
      %get3A_191 = arith.index_cast %mul3A_190 : i32 to index
      %get3A_192 = tpu.vector_load %arg6[%get3A_191] {strides = array<i32>} : memref<4096xf32, #tpu.memory_space<vmem>>, vector<16xf32>,
      %sub3A_193 = vector.broadcast %mul3A_32 : i32 to vector<16xi32>
      %sub3A_194 = arith.subi %get3A_188, %sub3A_193 : vector<16xi32>
      %ge3A_195 = arith.constant 0 : i32
      %ge3A_196 = vector.broadcast %ge3A_195 : i32 to vector<16xi32>
      %ge3A_197 = arith.cmpi sge, %sub3A_194, %ge3A_196 : vector<16xi32>
      %lt3A_198 = vector.broadcast %select_n3A_37 : i32 to vector<16xi32>
      %lt3A_199 = arith.cmpi slt, %sub3A_194, %lt3A_198 : vector<16xi32>
      %and3A_200 = arith.andi %ge3A_197, %lt3A_199 : vector<16xi1>
      %ge3A_201 = arith.constant 4 : i32
      %ge3A_202 = vector.broadcast %ge3A_201 : i32 to vector<16xi32>
      %ge3A_203 = arith.cmpi sge, %get3A_188, %ge3A_202 : vector<16xi32>
      %and3A_204 = arith.andi %and3A_200, %ge3A_203 : vector<16xi1>
      %swap3A_205 = arith.index_cast %scan3A_155 : i32 to index
      %swap3A_206 = tpu.vector_load %arg10[%swap3A_205] masked %and3A_204 {strides = array<i32>} : memref<2064xi32, #tpu.memory_space<vmem>>, vector<16xi32>, vector<16xi1>
      tpu.vector_store %arg10[%swap3A_205], %sub3A_194 masked %and3A_204 {strides = array<i32>} : memref<2064xi32, #tpu.memory_space<vmem>>, vector<16xi32>, vector<16xi1>
      %swap3A_207 = arith.index_cast %scan3A_155 : i32 to index
      %swap3A_208 = tpu.vector_load %arg11[%swap3A_207] masked %and3A_204 {strides = array<i32>} : memref<2064xf32, #tpu.memory_space<vmem>>, vector<16xf32>, vector<16xi1>
      tpu.vector_store %arg11[%swap3A_207], %get3A_192 masked %and3A_204 {strides = array<i32>} : memref<2064xf32, #tpu.memory_space<vmem>>, vector<16xf32>, vector<16xi1>
      %all_reduce_population_count3A_209 = tpu.all_reduce %and3A_204 {dim = 0 : i64, kind = #tpu.reduction_kind<sum>} : vector<16xi1> -> vector<16xi32>
      %slice3A_210 = vector.extract_strided_slice %all_reduce_population_count3A_209 {offsets = [0], sizes = [1], strides = [1]} : vector<16xi32> to vector<1xi32>
      %squeeze3A_211 = vector.extract %slice3A_210[0] : i32 from vector<1xi32>
      %add3A_212 = arith.addi %scan3A_155, %squeeze3A_211 : i32
      scf.yield %add3A_180, %add3A_212 : i32, i32
    }
    %scan3A_62 = arith.constant 128 : i32
    %broadcast_in_dim3A_63 = arith.constant 12545 : i32
    %broadcast_in_dim3A_64 = vector.broadcast %broadcast_in_dim3A_63 : i32 to vector<16xi32>
    %swap3A = arith.index_cast %scan3A_61#0 : i32 to index
    %swap3A_65 = tpu.vector_load %arg8[%swap3A] {strides = array<i32>} : memref<2064xi32, #tpu.memory_space<vmem>>, vector<16xi32>,
    tpu.vector_store %arg8[%swap3A], %broadcast_in_dim3A_64 {strides = array<i32>} : memref<2064xi32, #tpu.memory_space<vmem>>, vector<16xi32>,
    %swap3A_66 = arith.index_cast %scan3A_61#1 : i32 to index
    %swap3A_67 = tpu.vector_load %arg10[%swap3A_66] {strides = array<i32>} : memref<2064xi32, #tpu.memory_space<vmem>>, vector<16xi32>,
    tpu.vector_store %arg10[%swap3A_66], %broadcast_in_dim3A_64 {strides = array<i32>} : memref<2064xi32, #tpu.memory_space<vmem>>, vector<16xi32>,
    %iota3A = tpu.iota {dimensions = array<i32: 0>} : vector<16xi32>
    %add3A_68 = arith.constant 16 : i32
    %add3A_69 = arith.addi %scan3A_61#0, %add3A_68 : i32
    %sub3A_70 = arith.constant 1 : i32
    %sub3A_71 = arith.subi %add3A_69, %sub3A_70 : i32
    %jit3A_72 = arith.constant 16 : i32
    %div3A_73 = arith.divsi %sub3A_71, %jit3A_72 : i32
    %sign3A_74 = arith.constant 0 : i32
    %sign3A_75 = arith.cmpi sgt, %sub3A_71, %sign3A_74 : i32
    %sign3A_76 = arith.extui %sign3A_75 : i1 to i32
    %sign3A_77 = arith.constant 0 : i32
    %sign3A_78 = arith.cmpi slt, %sub3A_71, %sign3A_77 : i32
    %sign3A_79 = arith.extui %sign3A_78 : i1 to i32
    %sign3A_80 = arith.subi %sign3A_76, %sign3A_79 : i32
    %sign3A_81 = arith.constant 0 : i32
    %sign3A_82 = arith.cmpi sgt, %jit3A_72, %sign3A_81 : i32
    %sign3A_83 = arith.extui %sign3A_82 : i1 to i32
    %sign3A_84 = arith.constant 0 : i32
    %sign3A_85 = arith.cmpi slt, %jit3A_72, %sign3A_84 : i32
    %sign3A_86 = arith.extui %sign3A_85 : i1 to i32
    %sign3A_87 = arith.subi %sign3A_83, %sign3A_86 : i32
    %ne3A_88 = arith.cmpi ne, %sign3A_80, %sign3A_87 : i32
    %rem3A_89 = arith.remsi %sub3A_71, %jit3A_72 : i32
    %ne3A_90 = arith.constant 0 : i32
    %ne3A_91 = arith.cmpi ne, %rem3A_89, %ne3A_90 : i32
    %and3A_92 = arith.andi %ne3A_88, %ne3A_91 : i1
    %sub3A_93 = arith.constant 1 : i32
    %sub3A_94 = arith.subi %div3A_73, %sub3A_93 : i32
    %select_n3A_95 = arith.select %and3A_92, %sub3A_94, %div3A_73 : i32
    %while3A = arith.constant 0 : i32
    %while3A_96 = arith.constant 0 : i32
    %while3A_97 = arith.subi %select_n3A_95, %while3A : i32
    %while3A_98 = arith.addi %while3A, %while3A_97 : i32
    %while3A_99 = arith.constant 1 : i32
    %while3A_100 = arith.divsi %while3A_97, %while3A_99 : i32
    %while3A_101 = arith.muli %while3A_100, %while3A_99 : i32
    %while3A_102 = arith.addi %while3A, %while3A_101 : i32
    %while3A_103 = arith.constant 1 : i32
    %while3A_104 = scf.for %while3A_153 = %while3A to %while3A_102 step %while3A_103 iter_args(%while3A_154 = %while3A_96) -> (i32)  : i32 {
      %mul3A_155 = arith.constant 16 : i32
      %mul3A_156 = arith.muli %while3A_153, %mul3A_155 : i32
      %get3A = arith.index_cast %mul3A_156 : i32 to index
      %get3A_157 = tpu.vector_load %arg8[%get3A] {strides = array<i32>} : memref<2064xi32, #tpu.memory_space<vmem>>, vector<16xi32>,
      %mul3A_158 = arith.constant 16 : i32
      %mul3A_159 = arith.muli %while3A_153, %mul3A_158 : i32
      %get3A_160 = arith.index_cast %mul3A_159 : i32 to index
      %get3A_161 = tpu.vector_load %arg9[%get3A_160] {strides = array<i32>} : memref<2064xf32, #tpu.memory_space<vmem>>, vector<16xf32>,
      %sort3A = arith.constant dense<true> : vector<16xi1>
      %sort3A_162, %sort3A_163, %sort3A_164 = tpu.sort %get3A_157, %get3A_161 masked %sort3A : (vector<16xi32>, vector<16xf32>, vector<16xi1>) -> (vector<16xi1>, vector<16xi32>, vector<16xf32>)
      %sub3A_165 = arith.constant 1 : i32
      %sub3A_166 = vector.broadcast %sub3A_165 : i32 to vector<16xi32>
      %sub3A_167 = arith.subi %iota3A, %sub3A_166 : vector<16xi32>
      %max3A = arith.constant 0 : i32
      %max3A_168 = vector.broadcast %max3A : i32 to vector<16xi32>
      %max3A_169 = arith.maxsi %sub3A_167, %max3A_168 : vector<16xi32>
      %lt3A_170 = arith.constant 0 : i32
      %lt3A_171 = vector.broadcast %lt3A_170 : i32 to vector<16xi32>
      %lt3A_172 = arith.cmpi slt, %max3A_169, %lt3A_171 : vector<16xi32>
      %add3A_173 = arith.constant 16 : i32
      %add3A_174 = vector.broadcast %add3A_173 : i32 to vector<16xi32>
      %add3A_175 = arith.addi %max3A_169, %add3A_174 : vector<16xi32>
      %select_n3A_176 = arith.select %lt3A_172, %add3A_175, %max3A_169 : vector<16xi1>, vector<16xi32>
      %broadcast_in_dim3A_177 = vector.shape_cast %select_n3A_176 : vector<16xi32> to vector<16x1xi32>
      %gather3A = vector.shape_cast %broadcast_in_dim3A_177 : vector<16x1xi32> to vector<16xi32>
      %gather3A_178 = tpu.dynamic_gather %sort3A_163[%gather3A] in [0] : vector<16xi32>, vector<16xi32> -> vector<16xi32>
      %lt3A_179 = arith.constant 0 : i32
      %lt3A_180 = vector.broadcast %lt3A_179 : i32 to vector<16xi32>
      %lt3A_181 = arith.cmpi slt, %max3A_169, %lt3A_180 : vector<16xi32>
      %add3A_182 = arith.constant 16 : i32
      %add3A_183 = vector.broadcast %add3A_182 : i32 to vector<16xi32>
      %add3A_184 = arith.addi %max3A_169, %add3A_183 : vector<16xi32>
      %select_n3A_185 = arith.select %lt3A_181, %add3A_184, %max3A_169 : vector<16xi1>, vector<16xi32>
      %broadcast_in_dim3A_186 = vector.shape_cast %select_n3A_185 : vector<16xi32> to vector<16x1xi32>
      %gather3A_187 = vector.shape_cast %broadcast_in_dim3A_186 : vector<16x1xi32> to vector<16xi32>
      %gather3A_188 = tpu.dynamic_gather %sort3A_164[%gather3A_187] in [0] : vector<16xf32>, vector<16xi32> -> vector<16xf32>
      %eq3A_189 = arith.cmpi eq, %gather3A_178, %sort3A_163 : vector<16xi32>
      %max3A_190 = arith.maximumf %sort3A_164, %gather3A_188 : vector<16xf32>
      %select_n3A_191 = arith.select %eq3A_189, %max3A_190, %sort3A_164 : vector<16xi1>, vector<16xf32>
      %sub3A_192 = arith.constant 2 : i32
      %sub3A_193 = vector.broadcast %sub3A_192 : i32 to vector<16xi32>
      %sub3A_194 = arith.subi %iota3A, %sub3A_193 : vector<16xi32>
      %max3A_195 = arith.constant 0 : i32
      %max3A_196 = vector.broadcast %max3A_195 : i32 to vector<16xi32>
      %max3A_197 = arith.maxsi %sub3A_194, %max3A_196 : vector<16xi32>
      %lt3A_198 = arith.constant 0 : i32
      %lt3A_199 = vector.broadcast %lt3A_198 : i32 to vector<16xi32>
      %lt3A_200 = arith.cmpi slt, %max3A_197, %lt3A_199 : vector<16xi32>
      %add3A_201 = arith.constant 16 : i32
      %add3A_202 = vector.broadcast %add3A_201 : i32 to vector<16xi32>
      %add3A_203 = arith.addi %max3A_197, %add3A_202 : vector<16xi32>
      %select_n3A_204 = arith.select %lt3A_200, %add3A_203, %max3A_197 : vector<16xi1>, vector<16xi32>
      %broadcast_in_dim3A_205 = vector.shape_cast %select_n3A_204 : vector<16xi32> to vector<16x1xi32>
      %gather3A_206 = vector.shape_cast %broadcast_in_dim3A_205 : vector<16x1xi32> to vector<16xi32>
      %gather3A_207 = tpu.dynamic_gather %sort3A_163[%gather3A_206] in [0] : vector<16xi32>, vector<16xi32> -> vector<16xi32>
      %lt3A_208 = arith.constant 0 : i32
      %lt3A_209 = vector.broadcast %lt3A_208 : i32 to vector<16xi32>
      %lt3A_210 = arith.cmpi slt, %max3A_197, %lt3A_209 : vector<16xi32>
      %add3A_211 = arith.constant 16 : i32
      %add3A_212 = vector.broadcast %add3A_211 : i32 to vector<16xi32>
      %add3A_213 = arith.addi %max3A_197, %add3A_212 : vector<16xi32>
      %select_n3A_214 = arith.select %lt3A_210, %add3A_213, %max3A_197 : vector<16xi1>, vector<16xi32>
      %broadcast_in_dim3A_215 = vector.shape_cast %select_n3A_214 : vector<16xi32> to vector<16x1xi32>
      %gather3A_216 = vector.shape_cast %broadcast_in_dim3A_215 : vector<16x1xi32> to vector<16xi32>
      %gather3A_217 = tpu.dynamic_gather %select_n3A_191[%gather3A_216] in [0] : vector<16xf32>, vector<16xi32> -> vector<16xf32>
      %eq3A_218 = arith.cmpi eq, %gather3A_207, %sort3A_163 : vector<16xi32>
      %max3A_219 = arith.maximumf %select_n3A_191, %gather3A_217 : vector<16xf32>
      %select_n3A_220 = arith.select %eq3A_218, %max3A_219, %select_n3A_191 : vector<16xi1>, vector<16xf32>
      %sub3A_221 = arith.constant 4 : i32
      %sub3A_222 = vector.broadcast %sub3A_221 : i32 to vector<16xi32>
      %sub3A_223 = arith.subi %iota3A, %sub3A_222 : vector<16xi32>
      %max3A_224 = arith.constant 0 : i32
      %max3A_225 = vector.broadcast %max3A_224 : i32 to vector<16xi32>
      %max3A_226 = arith.maxsi %sub3A_223, %max3A_225 : vector<16xi32>
      %lt3A_227 = arith.constant 0 : i32
      %lt3A_228 = vector.broadcast %lt3A_227 : i32 to vector<16xi32>
      %lt3A_229 = arith.cmpi slt, %max3A_226, %lt3A_228 : vector<16xi32>
      %add3A_230 = arith.constant 16 : i32
      %add3A_231 = vector.broadcast %add3A_230 : i32 to vector<16xi32>
      %add3A_232 = arith.addi %max3A_226, %add3A_231 : vector<16xi32>
      %select_n3A_233 = arith.select %lt3A_229, %add3A_232, %max3A_226 : vector<16xi1>, vector<16xi32>
      %broadcast_in_dim3A_234 = vector.shape_cast %select_n3A_233 : vector<16xi32> to vector<16x1xi32>
      %gather3A_235 = vector.shape_cast %broadcast_in_dim3A_234 : vector<16x1xi32> to vector<16xi32>
      %gather3A_236 = tpu.dynamic_gather %sort3A_163[%gather3A_235] in [0] : vector<16xi32>, vector<16xi32> -> vector<16xi32>
      %lt3A_237 = arith.constant 0 : i32
      %lt3A_238 = vector.broadcast %lt3A_237 : i32 to vector<16xi32>
      %lt3A_239 = arith.cmpi slt, %max3A_226, %lt3A_238 : vector<16xi32>
      %add3A_240 = arith.constant 16 : i32
      %add3A_241 = vector.broadcast %add3A_240 : i32 to vector<16xi32>
      %add3A_242 = arith.addi %max3A_226, %add3A_241 : vector<16xi32>
      %select_n3A_243 = arith.select %lt3A_239, %add3A_242, %max3A_226 : vector<16xi1>, vector<16xi32>
      %broadcast_in_dim3A_244 = vector.shape_cast %select_n3A_243 : vector<16xi32> to vector<16x1xi32>
      %gather3A_245 = vector.shape_cast %broadcast_in_dim3A_244 : vector<16x1xi32> to vector<16xi32>
      %gather3A_246 = tpu.dynamic_gather %select_n3A_220[%gather3A_245] in [0] : vector<16xf32>, vector<16xi32> -> vector<16xf32>
      %eq3A_247 = arith.cmpi eq, %gather3A_236, %sort3A_163 : vector<16xi32>
      %max3A_248 = arith.maximumf %select_n3A_220, %gather3A_246 : vector<16xf32>
      %select_n3A_249 = arith.select %eq3A_247, %max3A_248, %select_n3A_220 : vector<16xi1>, vector<16xf32>
      %sub3A_250 = arith.constant 8 : i32
      %sub3A_251 = vector.broadcast %sub3A_250 : i32 to vector<16xi32>
      %sub3A_252 = arith.subi %iota3A, %sub3A_251 : vector<16xi32>
      %max3A_253 = arith.constant 0 : i32
      %max3A_254 = vector.broadcast %max3A_253 : i32 to vector<16xi32>
      %max3A_255 = arith.maxsi %sub3A_252, %max3A_254 : vector<16xi32>
      %lt3A_256 = arith.constant 0 : i32
      %lt3A_257 = vector.broadcast %lt3A_256 : i32 to vector<16xi32>
      %lt3A_258 = arith.cmpi slt, %max3A_255, %lt3A_257 : vector<16xi32>
      %add3A_259 = arith.constant 16 : i32
      %add3A_260 = vector.broadcast %add3A_259 : i32 to vector<16xi32>
      %add3A_261 = arith.addi %max3A_255, %add3A_260 : vector<16xi32>
      %select_n3A_262 = arith.select %lt3A_258, %add3A_261, %max3A_255 : vector<16xi1>, vector<16xi32>
      %broadcast_in_dim3A_263 = vector.shape_cast %select_n3A_262 : vector<16xi32> to vector<16x1xi32>
      %gather3A_264 = vector.shape_cast %broadcast_in_dim3A_263 : vector<16x1xi32> to vector<16xi32>
      %gather3A_265 = tpu.dynamic_gather %sort3A_163[%gather3A_264] in [0] : vector<16xi32>, vector<16xi32> -> vector<16xi32>
      %lt3A_266 = arith.constant 0 : i32
      %lt3A_267 = vector.broadcast %lt3A_266 : i32 to vector<16xi32>
      %lt3A_268 = arith.cmpi slt, %max3A_255, %lt3A_267 : vector<16xi32>
      %add3A_269 = arith.constant 16 : i32
      %add3A_270 = vector.broadcast %add3A_269 : i32 to vector<16xi32>
      %add3A_271 = arith.addi %max3A_255, %add3A_270 : vector<16xi32>
      %select_n3A_272 = arith.select %lt3A_268, %add3A_271, %max3A_255 : vector<16xi1>, vector<16xi32>
      %broadcast_in_dim3A_273 = vector.shape_cast %select_n3A_272 : vector<16xi32> to vector<16x1xi32>
      %gather3A_274 = vector.shape_cast %broadcast_in_dim3A_273 : vector<16x1xi32> to vector<16xi32>
      %gather3A_275 = tpu.dynamic_gather %select_n3A_249[%gather3A_274] in [0] : vector<16xf32>, vector<16xi32> -> vector<16xf32>
      %eq3A_276 = arith.cmpi eq, %gather3A_265, %sort3A_163 : vector<16xi32>
      %max3A_277 = arith.maximumf %select_n3A_249, %gather3A_275 : vector<16xf32>
      %select_n3A_278 = arith.select %eq3A_276, %max3A_277, %select_n3A_249 : vector<16xi1>, vector<16xf32>
      %add3A_279 = arith.constant 1 : i32
      %add3A_280 = vector.broadcast %add3A_279 : i32 to vector<16xi32>
      %add3A_281 = arith.addi %iota3A, %add3A_280 : vector<16xi32>
      %min3A = arith.constant 15 : i32
      %min3A_282 = vector.broadcast %min3A : i32 to vector<16xi32>
      %min3A_283 = arith.minsi %add3A_281, %min3A_282 : vector<16xi32>
      %lt3A_284 = arith.constant 0 : i32
      %lt3A_285 = vector.broadcast %lt3A_284 : i32 to vector<16xi32>
      %lt3A_286 = arith.cmpi slt, %min3A_283, %lt3A_285 : vector<16xi32>
      %add3A_287 = arith.constant 16 : i32
      %add3A_288 = vector.broadcast %add3A_287 : i32 to vector<16xi32>
      %add3A_289 = arith.addi %min3A_283, %add3A_288 : vector<16xi32>
      %select_n3A_290 = arith.select %lt3A_286, %add3A_289, %min3A_283 : vector<16xi1>, vector<16xi32>
      %broadcast_in_dim3A_291 = vector.shape_cast %select_n3A_290 : vector<16xi32> to vector<16x1xi32>
      %gather3A_292 = vector.shape_cast %broadcast_in_dim3A_291 : vector<16x1xi32> to vector<16xi32>
      %gather3A_293 = tpu.dynamic_gather %sort3A_163[%gather3A_292] in [0] : vector<16xi32>, vector<16xi32> -> vector<16xi32>
      %ne3A_294 = arith.cmpi ne, %gather3A_293, %sort3A_163 : vector<16xi32>
      %eq3A_295 = arith.constant 15 : i32
      %eq3A_296 = vector.broadcast %eq3A_295 : i32 to vector<16xi32>
      %eq3A_297 = arith.cmpi eq, %iota3A, %eq3A_296 : vector<16xi32>
      %or3A = arith.ori %ne3A_294, %eq3A_297 : vector<16xi1>
      %lt3A_298 = arith.constant 12545 : i32
      %lt3A_299 = vector.broadcast %lt3A_298 : i32 to vector<16xi32>
      %lt3A_300 = arith.cmpi slt, %sort3A_163, %lt3A_299 : vector<16xi32>
      %and3A_301 = arith.andi %or3A, %lt3A_300 : vector<16xi1>
      %min3A_302 = arith.constant 12543 : i32
      %min3A_303 = vector.broadcast %min3A_302 : i32 to vector<16xi32>
      %min3A_304 = arith.minsi %sort3A_163, %min3A_303 : vector<16xi32>
      %gather3A_305 = tpu.vector_load_idx %arg7[%min3A_304] masked %and3A_301 : memref<12544xf32, #tpu.memory_space<vmem>>[vector<16xi32>], vector<16xf32>, vector<16xi1>
      %max3A_306 = arith.maximumf %gather3A_305, %select_n3A_278 : vector<16xf32>
      tpu.vector_store_idx %arg7[%min3A_304], %max3A_306 masked %and3A_301 : memref<12544xf32, #tpu.memory_space<vmem>>[vector<16xi32>], vector<16xf32>, vector<16xi1>
      %while3A_307 = arith.constant 0 : i32
      scf.yield %while3A_307 : i32
    }
    %while3A_105 = arith.constant 1 : i32
    %while3A_106 = scf.for %while3A_153 = %while3A_102 to %while3A_98 step %while3A_105 iter_args(%while3A_154 = %while3A_104) -> (i32)  : i32 {
      %mul3A_155 = arith.constant 16 : i32
      %mul3A_156 = arith.muli %while3A_153, %mul3A_155 : i32
      %get3A = arith.index_cast %mul3A_156 : i32 to index
      %get3A_157 = tpu.vector_load %arg8[%get3A] {strides = array<i32>} : memref<2064xi32, #tpu.memory_space<vmem>>, vector<16xi32>,
      %mul3A_158 = arith.constant 16 : i32
      %mul3A_159 = arith.muli %while3A_153, %mul3A_158 : i32
      %get3A_160 = arith.index_cast %mul3A_159 : i32 to index
      %get3A_161 = tpu.vector_load %arg9[%get3A_160] {strides = array<i32>} : memref<2064xf32, #tpu.memory_space<vmem>>, vector<16xf32>,
      %sort3A = arith.constant dense<true> : vector<16xi1>
      %sort3A_162, %sort3A_163, %sort3A_164 = tpu.sort %get3A_157, %get3A_161 masked %sort3A : (vector<16xi32>, vector<16xf32>, vector<16xi1>) -> (vector<16xi1>, vector<16xi32>, vector<16xf32>)
      %sub3A_165 = arith.constant 1 : i32
      %sub3A_166 = vector.broadcast %sub3A_165 : i32 to vector<16xi32>
      %sub3A_167 = arith.subi %iota3A, %sub3A_166 : vector<16xi32>
      %max3A = arith.constant 0 : i32
      %max3A_168 = vector.broadcast %max3A : i32 to vector<16xi32>
      %max3A_169 = arith.maxsi %sub3A_167, %max3A_168 : vector<16xi32>
      %lt3A_170 = arith.constant 0 : i32
      %lt3A_171 = vector.broadcast %lt3A_170 : i32 to vector<16xi32>
      %lt3A_172 = arith.cmpi slt, %max3A_169, %lt3A_171 : vector<16xi32>
      %add3A_173 = arith.constant 16 : i32
      %add3A_174 = vector.broadcast %add3A_173 : i32 to vector<16xi32>
      %add3A_175 = arith.addi %max3A_169, %add3A_174 : vector<16xi32>
      %select_n3A_176 = arith.select %lt3A_172, %add3A_175, %max3A_169 : vector<16xi1>, vector<16xi32>
      %broadcast_in_dim3A_177 = vector.shape_cast %select_n3A_176 : vector<16xi32> to vector<16x1xi32>
      %gather3A = vector.shape_cast %broadcast_in_dim3A_177 : vector<16x1xi32> to vector<16xi32>
      %gather3A_178 = tpu.dynamic_gather %sort3A_163[%gather3A] in [0] : vector<16xi32>, vector<16xi32> -> vector<16xi32>
      %lt3A_179 = arith.constant 0 : i32
      %lt3A_180 = vector.broadcast %lt3A_179 : i32 to vector<16xi32>
      %lt3A_181 = arith.cmpi slt, %max3A_169, %lt3A_180 : vector<16xi32>
      %add3A_182 = arith.constant 16 : i32
      %add3A_183 = vector.broadcast %add3A_182 : i32 to vector<16xi32>
      %add3A_184 = arith.addi %max3A_169, %add3A_183 : vector<16xi32>
      %select_n3A_185 = arith.select %lt3A_181, %add3A_184, %max3A_169 : vector<16xi1>, vector<16xi32>
      %broadcast_in_dim3A_186 = vector.shape_cast %select_n3A_185 : vector<16xi32> to vector<16x1xi32>
      %gather3A_187 = vector.shape_cast %broadcast_in_dim3A_186 : vector<16x1xi32> to vector<16xi32>
      %gather3A_188 = tpu.dynamic_gather %sort3A_164[%gather3A_187] in [0] : vector<16xf32>, vector<16xi32> -> vector<16xf32>
      %eq3A_189 = arith.cmpi eq, %gather3A_178, %sort3A_163 : vector<16xi32>
      %max3A_190 = arith.maximumf %sort3A_164, %gather3A_188 : vector<16xf32>
      %select_n3A_191 = arith.select %eq3A_189, %max3A_190, %sort3A_164 : vector<16xi1>, vector<16xf32>
      %sub3A_192 = arith.constant 2 : i32
      %sub3A_193 = vector.broadcast %sub3A_192 : i32 to vector<16xi32>
      %sub3A_194 = arith.subi %iota3A, %sub3A_193 : vector<16xi32>
      %max3A_195 = arith.constant 0 : i32
      %max3A_196 = vector.broadcast %max3A_195 : i32 to vector<16xi32>
      %max3A_197 = arith.maxsi %sub3A_194, %max3A_196 : vector<16xi32>
      %lt3A_198 = arith.constant 0 : i32
      %lt3A_199 = vector.broadcast %lt3A_198 : i32 to vector<16xi32>
      %lt3A_200 = arith.cmpi slt, %max3A_197, %lt3A_199 : vector<16xi32>
      %add3A_201 = arith.constant 16 : i32
      %add3A_202 = vector.broadcast %add3A_201 : i32 to vector<16xi32>
      %add3A_203 = arith.addi %max3A_197, %add3A_202 : vector<16xi32>
      %select_n3A_204 = arith.select %lt3A_200, %add3A_203, %max3A_197 : vector<16xi1>, vector<16xi32>
      %broadcast_in_dim3A_205 = vector.shape_cast %select_n3A_204 : vector<16xi32> to vector<16x1xi32>
      %gather3A_206 = vector.shape_cast %broadcast_in_dim3A_205 : vector<16x1xi32> to vector<16xi32>
      %gather3A_207 = tpu.dynamic_gather %sort3A_163[%gather3A_206] in [0] : vector<16xi32>, vector<16xi32> -> vector<16xi32>
      %lt3A_208 = arith.constant 0 : i32
      %lt3A_209 = vector.broadcast %lt3A_208 : i32 to vector<16xi32>
      %lt3A_210 = arith.cmpi slt, %max3A_197, %lt3A_209 : vector<16xi32>
      %add3A_211 = arith.constant 16 : i32
      %add3A_212 = vector.broadcast %add3A_211 : i32 to vector<16xi32>
      %add3A_213 = arith.addi %max3A_197, %add3A_212 : vector<16xi32>
      %select_n3A_214 = arith.select %lt3A_210, %add3A_213, %max3A_197 : vector<16xi1>, vector<16xi32>
      %broadcast_in_dim3A_215 = vector.shape_cast %select_n3A_214 : vector<16xi32> to vector<16x1xi32>
      %gather3A_216 = vector.shape_cast %broadcast_in_dim3A_215 : vector<16x1xi32> to vector<16xi32>
      %gather3A_217 = tpu.dynamic_gather %select_n3A_191[%gather3A_216] in [0] : vector<16xf32>, vector<16xi32> -> vector<16xf32>
      %eq3A_218 = arith.cmpi eq, %gather3A_207, %sort3A_163 : vector<16xi32>
      %max3A_219 = arith.maximumf %select_n3A_191, %gather3A_217 : vector<16xf32>
      %select_n3A_220 = arith.select %eq3A_218, %max3A_219, %select_n3A_191 : vector<16xi1>, vector<16xf32>
      %sub3A_221 = arith.constant 4 : i32
      %sub3A_222 = vector.broadcast %sub3A_221 : i32 to vector<16xi32>
      %sub3A_223 = arith.subi %iota3A, %sub3A_222 : vector<16xi32>
      %max3A_224 = arith.constant 0 : i32
      %max3A_225 = vector.broadcast %max3A_224 : i32 to vector<16xi32>
      %max3A_226 = arith.maxsi %sub3A_223, %max3A_225 : vector<16xi32>
      %lt3A_227 = arith.constant 0 : i32
      %lt3A_228 = vector.broadcast %lt3A_227 : i32 to vector<16xi32>
      %lt3A_229 = arith.cmpi slt, %max3A_226, %lt3A_228 : vector<16xi32>
      %add3A_230 = arith.constant 16 : i32
      %add3A_231 = vector.broadcast %add3A_230 : i32 to vector<16xi32>
      %add3A_232 = arith.addi %max3A_226, %add3A_231 : vector<16xi32>
      %select_n3A_233 = arith.select %lt3A_229, %add3A_232, %max3A_226 : vector<16xi1>, vector<16xi32>
      %broadcast_in_dim3A_234 = vector.shape_cast %select_n3A_233 : vector<16xi32> to vector<16x1xi32>
      %gather3A_235 = vector.shape_cast %broadcast_in_dim3A_234 : vector<16x1xi32> to vector<16xi32>
      %gather3A_236 = tpu.dynamic_gather %sort3A_163[%gather3A_235] in [0] : vector<16xi32>, vector<16xi32> -> vector<16xi32>
      %lt3A_237 = arith.constant 0 : i32
      %lt3A_238 = vector.broadcast %lt3A_237 : i32 to vector<16xi32>
      %lt3A_239 = arith.cmpi slt, %max3A_226, %lt3A_238 : vector<16xi32>
      %add3A_240 = arith.constant 16 : i32
      %add3A_241 = vector.broadcast %add3A_240 : i32 to vector<16xi32>
      %add3A_242 = arith.addi %max3A_226, %add3A_241 : vector<16xi32>
      %select_n3A_243 = arith.select %lt3A_239, %add3A_242, %max3A_226 : vector<16xi1>, vector<16xi32>
      %broadcast_in_dim3A_244 = vector.shape_cast %select_n3A_243 : vector<16xi32> to vector<16x1xi32>
      %gather3A_245 = vector.shape_cast %broadcast_in_dim3A_244 : vector<16x1xi32> to vector<16xi32>
      %gather3A_246 = tpu.dynamic_gather %select_n3A_220[%gather3A_245] in [0] : vector<16xf32>, vector<16xi32> -> vector<16xf32>
      %eq3A_247 = arith.cmpi eq, %gather3A_236, %sort3A_163 : vector<16xi32>
      %max3A_248 = arith.maximumf %select_n3A_220, %gather3A_246 : vector<16xf32>
      %select_n3A_249 = arith.select %eq3A_247, %max3A_248, %select_n3A_220 : vector<16xi1>, vector<16xf32>
      %sub3A_250 = arith.constant 8 : i32
      %sub3A_251 = vector.broadcast %sub3A_250 : i32 to vector<16xi32>
      %sub3A_252 = arith.subi %iota3A, %sub3A_251 : vector<16xi32>
      %max3A_253 = arith.constant 0 : i32
      %max3A_254 = vector.broadcast %max3A_253 : i32 to vector<16xi32>
      %max3A_255 = arith.maxsi %sub3A_252, %max3A_254 : vector<16xi32>
      %lt3A_256 = arith.constant 0 : i32
      %lt3A_257 = vector.broadcast %lt3A_256 : i32 to vector<16xi32>
      %lt3A_258 = arith.cmpi slt, %max3A_255, %lt3A_257 : vector<16xi32>
      %add3A_259 = arith.constant 16 : i32
      %add3A_260 = vector.broadcast %add3A_259 : i32 to vector<16xi32>
      %add3A_261 = arith.addi %max3A_255, %add3A_260 : vector<16xi32>
      %select_n3A_262 = arith.select %lt3A_258, %add3A_261, %max3A_255 : vector<16xi1>, vector<16xi32>
      %broadcast_in_dim3A_263 = vector.shape_cast %select_n3A_262 : vector<16xi32> to vector<16x1xi32>
      %gather3A_264 = vector.shape_cast %broadcast_in_dim3A_263 : vector<16x1xi32> to vector<16xi32>
      %gather3A_265 = tpu.dynamic_gather %sort3A_163[%gather3A_264] in [0] : vector<16xi32>, vector<16xi32> -> vector<16xi32>
      %lt3A_266 = arith.constant 0 : i32
      %lt3A_267 = vector.broadcast %lt3A_266 : i32 to vector<16xi32>
      %lt3A_268 = arith.cmpi slt, %max3A_255, %lt3A_267 : vector<16xi32>
      %add3A_269 = arith.constant 16 : i32
      %add3A_270 = vector.broadcast %add3A_269 : i32 to vector<16xi32>
      %add3A_271 = arith.addi %max3A_255, %add3A_270 : vector<16xi32>
      %select_n3A_272 = arith.select %lt3A_268, %add3A_271, %max3A_255 : vector<16xi1>, vector<16xi32>
      %broadcast_in_dim3A_273 = vector.shape_cast %select_n3A_272 : vector<16xi32> to vector<16x1xi32>
      %gather3A_274 = vector.shape_cast %broadcast_in_dim3A_273 : vector<16x1xi32> to vector<16xi32>
      %gather3A_275 = tpu.dynamic_gather %select_n3A_249[%gather3A_274] in [0] : vector<16xf32>, vector<16xi32> -> vector<16xf32>
      %eq3A_276 = arith.cmpi eq, %gather3A_265, %sort3A_163 : vector<16xi32>
      %max3A_277 = arith.maximumf %select_n3A_249, %gather3A_275 : vector<16xf32>
      %select_n3A_278 = arith.select %eq3A_276, %max3A_277, %select_n3A_249 : vector<16xi1>, vector<16xf32>
      %add3A_279 = arith.constant 1 : i32
      %add3A_280 = vector.broadcast %add3A_279 : i32 to vector<16xi32>
      %add3A_281 = arith.addi %iota3A, %add3A_280 : vector<16xi32>
      %min3A = arith.constant 15 : i32
      %min3A_282 = vector.broadcast %min3A : i32 to vector<16xi32>
      %min3A_283 = arith.minsi %add3A_281, %min3A_282 : vector<16xi32>
      %lt3A_284 = arith.constant 0 : i32
      %lt3A_285 = vector.broadcast %lt3A_284 : i32 to vector<16xi32>
      %lt3A_286 = arith.cmpi slt, %min3A_283, %lt3A_285 : vector<16xi32>
      %add3A_287 = arith.constant 16 : i32
      %add3A_288 = vector.broadcast %add3A_287 : i32 to vector<16xi32>
      %add3A_289 = arith.addi %min3A_283, %add3A_288 : vector<16xi32>
      %select_n3A_290 = arith.select %lt3A_286, %add3A_289, %min3A_283 : vector<16xi1>, vector<16xi32>
      %broadcast_in_dim3A_291 = vector.shape_cast %select_n3A_290 : vector<16xi32> to vector<16x1xi32>
      %gather3A_292 = vector.shape_cast %broadcast_in_dim3A_291 : vector<16x1xi32> to vector<16xi32>
      %gather3A_293 = tpu.dynamic_gather %sort3A_163[%gather3A_292] in [0] : vector<16xi32>, vector<16xi32> -> vector<16xi32>
      %ne3A_294 = arith.cmpi ne, %gather3A_293, %sort3A_163 : vector<16xi32>
      %eq3A_295 = arith.constant 15 : i32
      %eq3A_296 = vector.broadcast %eq3A_295 : i32 to vector<16xi32>
      %eq3A_297 = arith.cmpi eq, %iota3A, %eq3A_296 : vector<16xi32>
      %or3A = arith.ori %ne3A_294, %eq3A_297 : vector<16xi1>
      %lt3A_298 = arith.constant 12545 : i32
      %lt3A_299 = vector.broadcast %lt3A_298 : i32 to vector<16xi32>
      %lt3A_300 = arith.cmpi slt, %sort3A_163, %lt3A_299 : vector<16xi32>
      %and3A_301 = arith.andi %or3A, %lt3A_300 : vector<16xi1>
      %min3A_302 = arith.constant 12543 : i32
      %min3A_303 = vector.broadcast %min3A_302 : i32 to vector<16xi32>
      %min3A_304 = arith.minsi %sort3A_163, %min3A_303 : vector<16xi32>
      %gather3A_305 = tpu.vector_load_idx %arg7[%min3A_304] masked %and3A_301 : memref<12544xf32, #tpu.memory_space<vmem>>[vector<16xi32>], vector<16xf32>, vector<16xi1>
      %max3A_306 = arith.maximumf %gather3A_305, %select_n3A_278 : vector<16xf32>
      tpu.vector_store_idx %arg7[%min3A_304], %max3A_306 masked %and3A_301 : memref<12544xf32, #tpu.memory_space<vmem>>[vector<16xi32>], vector<16xf32>, vector<16xi1>
      %while3A_307 = arith.constant 0 : i32
      scf.yield %while3A_307 : i32
    }
    %add3A_107 = arith.constant 16 : i32
    %add3A_108 = arith.addi %scan3A_61#1, %add3A_107 : i32
    %sub3A_109 = arith.constant 1 : i32
    %sub3A_110 = arith.subi %add3A_108, %sub3A_109 : i32
    %jit3A_111 = arith.constant 16 : i32
    %div3A_112 = arith.divsi %sub3A_110, %jit3A_111 : i32
    %sign3A_113 = arith.constant 0 : i32
    %sign3A_114 = arith.cmpi sgt, %sub3A_110, %sign3A_113 : i32
    %sign3A_115 = arith.extui %sign3A_114 : i1 to i32
    %sign3A_116 = arith.constant 0 : i32
    %sign3A_117 = arith.cmpi slt, %sub3A_110, %sign3A_116 : i32
    %sign3A_118 = arith.extui %sign3A_117 : i1 to i32
    %sign3A_119 = arith.subi %sign3A_115, %sign3A_118 : i32
    %sign3A_120 = arith.constant 0 : i32
    %sign3A_121 = arith.cmpi sgt, %jit3A_111, %sign3A_120 : i32
    %sign3A_122 = arith.extui %sign3A_121 : i1 to i32
    %sign3A_123 = arith.constant 0 : i32
    %sign3A_124 = arith.cmpi slt, %jit3A_111, %sign3A_123 : i32
    %sign3A_125 = arith.extui %sign3A_124 : i1 to i32
    %sign3A_126 = arith.subi %sign3A_122, %sign3A_125 : i32
    %ne3A_127 = arith.cmpi ne, %sign3A_119, %sign3A_126 : i32
    %rem3A_128 = arith.remsi %sub3A_110, %jit3A_111 : i32
    %ne3A_129 = arith.constant 0 : i32
    %ne3A_130 = arith.cmpi ne, %rem3A_128, %ne3A_129 : i32
    %and3A_131 = arith.andi %ne3A_127, %ne3A_130 : i1
    %sub3A_132 = arith.constant 1 : i32
    %sub3A_133 = arith.subi %div3A_112, %sub3A_132 : i32
    %select_n3A_134 = arith.select %and3A_131, %sub3A_133, %div3A_112 : i32
    %while3A_135 = arith.constant 0 : i32
    %while3A_136 = arith.constant 0 : i32
    %while3A_137 = arith.subi %select_n3A_134, %while3A_135 : i32
    %while3A_138 = arith.addi %while3A_135, %while3A_137 : i32
    %while3A_139 = arith.constant 1 : i32
    %while3A_140 = arith.divsi %while3A_137, %while3A_139 : i32
    %while3A_141 = arith.muli %while3A_140, %while3A_139 : i32
    %while3A_142 = arith.addi %while3A_135, %while3A_141 : i32
    %while3A_143 = arith.constant 1 : i32
    %while3A_144 = scf.for %while3A_153 = %while3A_135 to %while3A_142 step %while3A_143 iter_args(%while3A_154 = %while3A_136) -> (i32)  : i32 {
      %mul3A_155 = arith.constant 16 : i32
      %mul3A_156 = arith.muli %while3A_153, %mul3A_155 : i32
      %get3A = arith.index_cast %mul3A_156 : i32 to index
      %get3A_157 = tpu.vector_load %arg10[%get3A] {strides = array<i32>} : memref<2064xi32, #tpu.memory_space<vmem>>, vector<16xi32>,
      %mul3A_158 = arith.constant 16 : i32
      %mul3A_159 = arith.muli %while3A_153, %mul3A_158 : i32
      %get3A_160 = arith.index_cast %mul3A_159 : i32 to index
      %get3A_161 = tpu.vector_load %arg11[%get3A_160] {strides = array<i32>} : memref<2064xf32, #tpu.memory_space<vmem>>, vector<16xf32>,
      %sort3A = arith.constant dense<true> : vector<16xi1>
      %sort3A_162, %sort3A_163, %sort3A_164 = tpu.sort %get3A_157, %get3A_161 masked %sort3A : (vector<16xi32>, vector<16xf32>, vector<16xi1>) -> (vector<16xi1>, vector<16xi32>, vector<16xf32>)
      %sub3A_165 = arith.constant 1 : i32
      %sub3A_166 = vector.broadcast %sub3A_165 : i32 to vector<16xi32>
      %sub3A_167 = arith.subi %iota3A, %sub3A_166 : vector<16xi32>
      %max3A = arith.constant 0 : i32
      %max3A_168 = vector.broadcast %max3A : i32 to vector<16xi32>
      %max3A_169 = arith.maxsi %sub3A_167, %max3A_168 : vector<16xi32>
      %lt3A_170 = arith.constant 0 : i32
      %lt3A_171 = vector.broadcast %lt3A_170 : i32 to vector<16xi32>
      %lt3A_172 = arith.cmpi slt, %max3A_169, %lt3A_171 : vector<16xi32>
      %add3A_173 = arith.constant 16 : i32
      %add3A_174 = vector.broadcast %add3A_173 : i32 to vector<16xi32>
      %add3A_175 = arith.addi %max3A_169, %add3A_174 : vector<16xi32>
      %select_n3A_176 = arith.select %lt3A_172, %add3A_175, %max3A_169 : vector<16xi1>, vector<16xi32>
      %broadcast_in_dim3A_177 = vector.shape_cast %select_n3A_176 : vector<16xi32> to vector<16x1xi32>
      %gather3A = vector.shape_cast %broadcast_in_dim3A_177 : vector<16x1xi32> to vector<16xi32>
      %gather3A_178 = tpu.dynamic_gather %sort3A_163[%gather3A] in [0] : vector<16xi32>, vector<16xi32> -> vector<16xi32>
      %lt3A_179 = arith.constant 0 : i32
      %lt3A_180 = vector.broadcast %lt3A_179 : i32 to vector<16xi32>
      %lt3A_181 = arith.cmpi slt, %max3A_169, %lt3A_180 : vector<16xi32>
      %add3A_182 = arith.constant 16 : i32
      %add3A_183 = vector.broadcast %add3A_182 : i32 to vector<16xi32>
      %add3A_184 = arith.addi %max3A_169, %add3A_183 : vector<16xi32>
      %select_n3A_185 = arith.select %lt3A_181, %add3A_184, %max3A_169 : vector<16xi1>, vector<16xi32>
      %broadcast_in_dim3A_186 = vector.shape_cast %select_n3A_185 : vector<16xi32> to vector<16x1xi32>
      %gather3A_187 = vector.shape_cast %broadcast_in_dim3A_186 : vector<16x1xi32> to vector<16xi32>
      %gather3A_188 = tpu.dynamic_gather %sort3A_164[%gather3A_187] in [0] : vector<16xf32>, vector<16xi32> -> vector<16xf32>
      %eq3A_189 = arith.cmpi eq, %gather3A_178, %sort3A_163 : vector<16xi32>
      %max3A_190 = arith.maximumf %sort3A_164, %gather3A_188 : vector<16xf32>
      %select_n3A_191 = arith.select %eq3A_189, %max3A_190, %sort3A_164 : vector<16xi1>, vector<16xf32>
      %sub3A_192 = arith.constant 2 : i32
      %sub3A_193 = vector.broadcast %sub3A_192 : i32 to vector<16xi32>
      %sub3A_194 = arith.subi %iota3A, %sub3A_193 : vector<16xi32>
      %max3A_195 = arith.constant 0 : i32
      %max3A_196 = vector.broadcast %max3A_195 : i32 to vector<16xi32>
      %max3A_197 = arith.maxsi %sub3A_194, %max3A_196 : vector<16xi32>
      %lt3A_198 = arith.constant 0 : i32
      %lt3A_199 = vector.broadcast %lt3A_198 : i32 to vector<16xi32>
      %lt3A_200 = arith.cmpi slt, %max3A_197, %lt3A_199 : vector<16xi32>
      %add3A_201 = arith.constant 16 : i32
      %add3A_202 = vector.broadcast %add3A_201 : i32 to vector<16xi32>
      %add3A_203 = arith.addi %max3A_197, %add3A_202 : vector<16xi32>
      %select_n3A_204 = arith.select %lt3A_200, %add3A_203, %max3A_197 : vector<16xi1>, vector<16xi32>
      %broadcast_in_dim3A_205 = vector.shape_cast %select_n3A_204 : vector<16xi32> to vector<16x1xi32>
      %gather3A_206 = vector.shape_cast %broadcast_in_dim3A_205 : vector<16x1xi32> to vector<16xi32>
      %gather3A_207 = tpu.dynamic_gather %sort3A_163[%gather3A_206] in [0] : vector<16xi32>, vector<16xi32> -> vector<16xi32>
      %lt3A_208 = arith.constant 0 : i32
      %lt3A_209 = vector.broadcast %lt3A_208 : i32 to vector<16xi32>
      %lt3A_210 = arith.cmpi slt, %max3A_197, %lt3A_209 : vector<16xi32>
      %add3A_211 = arith.constant 16 : i32
      %add3A_212 = vector.broadcast %add3A_211 : i32 to vector<16xi32>
      %add3A_213 = arith.addi %max3A_197, %add3A_212 : vector<16xi32>
      %select_n3A_214 = arith.select %lt3A_210, %add3A_213, %max3A_197 : vector<16xi1>, vector<16xi32>
      %broadcast_in_dim3A_215 = vector.shape_cast %select_n3A_214 : vector<16xi32> to vector<16x1xi32>
      %gather3A_216 = vector.shape_cast %broadcast_in_dim3A_215 : vector<16x1xi32> to vector<16xi32>
      %gather3A_217 = tpu.dynamic_gather %select_n3A_191[%gather3A_216] in [0] : vector<16xf32>, vector<16xi32> -> vector<16xf32>
      %eq3A_218 = arith.cmpi eq, %gather3A_207, %sort3A_163 : vector<16xi32>
      %max3A_219 = arith.maximumf %select_n3A_191, %gather3A_217 : vector<16xf32>
      %select_n3A_220 = arith.select %eq3A_218, %max3A_219, %select_n3A_191 : vector<16xi1>, vector<16xf32>
      %sub3A_221 = arith.constant 4 : i32
      %sub3A_222 = vector.broadcast %sub3A_221 : i32 to vector<16xi32>
      %sub3A_223 = arith.subi %iota3A, %sub3A_222 : vector<16xi32>
      %max3A_224 = arith.constant 0 : i32
      %max3A_225 = vector.broadcast %max3A_224 : i32 to vector<16xi32>
      %max3A_226 = arith.maxsi %sub3A_223, %max3A_225 : vector<16xi32>
      %lt3A_227 = arith.constant 0 : i32
      %lt3A_228 = vector.broadcast %lt3A_227 : i32 to vector<16xi32>
      %lt3A_229 = arith.cmpi slt, %max3A_226, %lt3A_228 : vector<16xi32>
      %add3A_230 = arith.constant 16 : i32
      %add3A_231 = vector.broadcast %add3A_230 : i32 to vector<16xi32>
      %add3A_232 = arith.addi %max3A_226, %add3A_231 : vector<16xi32>
      %select_n3A_233 = arith.select %lt3A_229, %add3A_232, %max3A_226 : vector<16xi1>, vector<16xi32>
      %broadcast_in_dim3A_234 = vector.shape_cast %select_n3A_233 : vector<16xi32> to vector<16x1xi32>
      %gather3A_235 = vector.shape_cast %broadcast_in_dim3A_234 : vector<16x1xi32> to vector<16xi32>
      %gather3A_236 = tpu.dynamic_gather %sort3A_163[%gather3A_235] in [0] : vector<16xi32>, vector<16xi32> -> vector<16xi32>
      %lt3A_237 = arith.constant 0 : i32
      %lt3A_238 = vector.broadcast %lt3A_237 : i32 to vector<16xi32>
      %lt3A_239 = arith.cmpi slt, %max3A_226, %lt3A_238 : vector<16xi32>
      %add3A_240 = arith.constant 16 : i32
      %add3A_241 = vector.broadcast %add3A_240 : i32 to vector<16xi32>
      %add3A_242 = arith.addi %max3A_226, %add3A_241 : vector<16xi32>
      %select_n3A_243 = arith.select %lt3A_239, %add3A_242, %max3A_226 : vector<16xi1>, vector<16xi32>
      %broadcast_in_dim3A_244 = vector.shape_cast %select_n3A_243 : vector<16xi32> to vector<16x1xi32>
      %gather3A_245 = vector.shape_cast %broadcast_in_dim3A_244 : vector<16x1xi32> to vector<16xi32>
      %gather3A_246 = tpu.dynamic_gather %select_n3A_220[%gather3A_245] in [0] : vector<16xf32>, vector<16xi32> -> vector<16xf32>
      %eq3A_247 = arith.cmpi eq, %gather3A_236, %sort3A_163 : vector<16xi32>
      %max3A_248 = arith.maximumf %select_n3A_220, %gather3A_246 : vector<16xf32>
      %select_n3A_249 = arith.select %eq3A_247, %max3A_248, %select_n3A_220 : vector<16xi1>, vector<16xf32>
      %sub3A_250 = arith.constant 8 : i32
      %sub3A_251 = vector.broadcast %sub3A_250 : i32 to vector<16xi32>
      %sub3A_252 = arith.subi %iota3A, %sub3A_251 : vector<16xi32>
      %max3A_253 = arith.constant 0 : i32
      %max3A_254 = vector.broadcast %max3A_253 : i32 to vector<16xi32>
      %max3A_255 = arith.maxsi %sub3A_252, %max3A_254 : vector<16xi32>
      %lt3A_256 = arith.constant 0 : i32
      %lt3A_257 = vector.broadcast %lt3A_256 : i32 to vector<16xi32>
      %lt3A_258 = arith.cmpi slt, %max3A_255, %lt3A_257 : vector<16xi32>
      %add3A_259 = arith.constant 16 : i32
      %add3A_260 = vector.broadcast %add3A_259 : i32 to vector<16xi32>
      %add3A_261 = arith.addi %max3A_255, %add3A_260 : vector<16xi32>
      %select_n3A_262 = arith.select %lt3A_258, %add3A_261, %max3A_255 : vector<16xi1>, vector<16xi32>
      %broadcast_in_dim3A_263 = vector.shape_cast %select_n3A_262 : vector<16xi32> to vector<16x1xi32>
      %gather3A_264 = vector.shape_cast %broadcast_in_dim3A_263 : vector<16x1xi32> to vector<16xi32>
      %gather3A_265 = tpu.dynamic_gather %sort3A_163[%gather3A_264] in [0] : vector<16xi32>, vector<16xi32> -> vector<16xi32>
      %lt3A_266 = arith.constant 0 : i32
      %lt3A_267 = vector.broadcast %lt3A_266 : i32 to vector<16xi32>
      %lt3A_268 = arith.cmpi slt, %max3A_255, %lt3A_267 : vector<16xi32>
      %add3A_269 = arith.constant 16 : i32
      %add3A_270 = vector.broadcast %add3A_269 : i32 to vector<16xi32>
      %add3A_271 = arith.addi %max3A_255, %add3A_270 : vector<16xi32>
      %select_n3A_272 = arith.select %lt3A_268, %add3A_271, %max3A_255 : vector<16xi1>, vector<16xi32>
      %broadcast_in_dim3A_273 = vector.shape_cast %select_n3A_272 : vector<16xi32> to vector<16x1xi32>
      %gather3A_274 = vector.shape_cast %broadcast_in_dim3A_273 : vector<16x1xi32> to vector<16xi32>
      %gather3A_275 = tpu.dynamic_gather %select_n3A_249[%gather3A_274] in [0] : vector<16xf32>, vector<16xi32> -> vector<16xf32>
      %eq3A_276 = arith.cmpi eq, %gather3A_265, %sort3A_163 : vector<16xi32>
      %max3A_277 = arith.maximumf %select_n3A_249, %gather3A_275 : vector<16xf32>
      %select_n3A_278 = arith.select %eq3A_276, %max3A_277, %select_n3A_249 : vector<16xi1>, vector<16xf32>
      %add3A_279 = arith.constant 1 : i32
      %add3A_280 = vector.broadcast %add3A_279 : i32 to vector<16xi32>
      %add3A_281 = arith.addi %iota3A, %add3A_280 : vector<16xi32>
      %min3A = arith.constant 15 : i32
      %min3A_282 = vector.broadcast %min3A : i32 to vector<16xi32>
      %min3A_283 = arith.minsi %add3A_281, %min3A_282 : vector<16xi32>
      %lt3A_284 = arith.constant 0 : i32
      %lt3A_285 = vector.broadcast %lt3A_284 : i32 to vector<16xi32>
      %lt3A_286 = arith.cmpi slt, %min3A_283, %lt3A_285 : vector<16xi32>
      %add3A_287 = arith.constant 16 : i32
      %add3A_288 = vector.broadcast %add3A_287 : i32 to vector<16xi32>
      %add3A_289 = arith.addi %min3A_283, %add3A_288 : vector<16xi32>
      %select_n3A_290 = arith.select %lt3A_286, %add3A_289, %min3A_283 : vector<16xi1>, vector<16xi32>
      %broadcast_in_dim3A_291 = vector.shape_cast %select_n3A_290 : vector<16xi32> to vector<16x1xi32>
      %gather3A_292 = vector.shape_cast %broadcast_in_dim3A_291 : vector<16x1xi32> to vector<16xi32>
      %gather3A_293 = tpu.dynamic_gather %sort3A_163[%gather3A_292] in [0] : vector<16xi32>, vector<16xi32> -> vector<16xi32>
      %ne3A_294 = arith.cmpi ne, %gather3A_293, %sort3A_163 : vector<16xi32>
      %eq3A_295 = arith.constant 15 : i32
      %eq3A_296 = vector.broadcast %eq3A_295 : i32 to vector<16xi32>
      %eq3A_297 = arith.cmpi eq, %iota3A, %eq3A_296 : vector<16xi32>
      %or3A = arith.ori %ne3A_294, %eq3A_297 : vector<16xi1>
      %lt3A_298 = arith.constant 12545 : i32
      %lt3A_299 = vector.broadcast %lt3A_298 : i32 to vector<16xi32>
      %lt3A_300 = arith.cmpi slt, %sort3A_163, %lt3A_299 : vector<16xi32>
      %and3A_301 = arith.andi %or3A, %lt3A_300 : vector<16xi1>
      %min3A_302 = arith.constant 12543 : i32
      %min3A_303 = vector.broadcast %min3A_302 : i32 to vector<16xi32>
      %min3A_304 = arith.minsi %sort3A_163, %min3A_303 : vector<16xi32>
      %gather3A_305 = tpu.vector_load_idx %arg7[%min3A_304] masked %and3A_301 : memref<12544xf32, #tpu.memory_space<vmem>>[vector<16xi32>], vector<16xf32>, vector<16xi1>
      %max3A_306 = arith.maximumf %gather3A_305, %select_n3A_278 : vector<16xf32>
      tpu.vector_store_idx %arg7[%min3A_304], %max3A_306 masked %and3A_301 : memref<12544xf32, #tpu.memory_space<vmem>>[vector<16xi32>], vector<16xf32>, vector<16xi1>
      %while3A_307 = arith.constant 0 : i32
      scf.yield %while3A_307 : i32
    }
    %while3A_145 = arith.constant 1 : i32
    %while3A_146 = scf.for %while3A_153 = %while3A_142 to %while3A_138 step %while3A_145 iter_args(%while3A_154 = %while3A_144) -> (i32)  : i32 {
      %mul3A_155 = arith.constant 16 : i32
      %mul3A_156 = arith.muli %while3A_153, %mul3A_155 : i32
      %get3A = arith.index_cast %mul3A_156 : i32 to index
      %get3A_157 = tpu.vector_load %arg10[%get3A] {strides = array<i32>} : memref<2064xi32, #tpu.memory_space<vmem>>, vector<16xi32>,
      %mul3A_158 = arith.constant 16 : i32
      %mul3A_159 = arith.muli %while3A_153, %mul3A_158 : i32
      %get3A_160 = arith.index_cast %mul3A_159 : i32 to index
      %get3A_161 = tpu.vector_load %arg11[%get3A_160] {strides = array<i32>} : memref<2064xf32, #tpu.memory_space<vmem>>, vector<16xf32>,
      %sort3A = arith.constant dense<true> : vector<16xi1>
      %sort3A_162, %sort3A_163, %sort3A_164 = tpu.sort %get3A_157, %get3A_161 masked %sort3A : (vector<16xi32>, vector<16xf32>, vector<16xi1>) -> (vector<16xi1>, vector<16xi32>, vector<16xf32>)
      %sub3A_165 = arith.constant 1 : i32
      %sub3A_166 = vector.broadcast %sub3A_165 : i32 to vector<16xi32>
      %sub3A_167 = arith.subi %iota3A, %sub3A_166 : vector<16xi32>
      %max3A = arith.constant 0 : i32
      %max3A_168 = vector.broadcast %max3A : i32 to vector<16xi32>
      %max3A_169 = arith.maxsi %sub3A_167, %max3A_168 : vector<16xi32>
      %lt3A_170 = arith.constant 0 : i32
      %lt3A_171 = vector.broadcast %lt3A_170 : i32 to vector<16xi32>
      %lt3A_172 = arith.cmpi slt, %max3A_169, %lt3A_171 : vector<16xi32>
      %add3A_173 = arith.constant 16 : i32
      %add3A_174 = vector.broadcast %add3A_173 : i32 to vector<16xi32>
      %add3A_175 = arith.addi %max3A_169, %add3A_174 : vector<16xi32>
      %select_n3A_176 = arith.select %lt3A_172, %add3A_175, %max3A_169 : vector<16xi1>, vector<16xi32>
      %broadcast_in_dim3A_177 = vector.shape_cast %select_n3A_176 : vector<16xi32> to vector<16x1xi32>
      %gather3A = vector.shape_cast %broadcast_in_dim3A_177 : vector<16x1xi32> to vector<16xi32>
      %gather3A_178 = tpu.dynamic_gather %sort3A_163[%gather3A] in [0] : vector<16xi32>, vector<16xi32> -> vector<16xi32>
      %lt3A_179 = arith.constant 0 : i32
      %lt3A_180 = vector.broadcast %lt3A_179 : i32 to vector<16xi32>
      %lt3A_181 = arith.cmpi slt, %max3A_169, %lt3A_180 : vector<16xi32>
      %add3A_182 = arith.constant 16 : i32
      %add3A_183 = vector.broadcast %add3A_182 : i32 to vector<16xi32>
      %add3A_184 = arith.addi %max3A_169, %add3A_183 : vector<16xi32>
      %select_n3A_185 = arith.select %lt3A_181, %add3A_184, %max3A_169 : vector<16xi1>, vector<16xi32>
      %broadcast_in_dim3A_186 = vector.shape_cast %select_n3A_185 : vector<16xi32> to vector<16x1xi32>
      %gather3A_187 = vector.shape_cast %broadcast_in_dim3A_186 : vector<16x1xi32> to vector<16xi32>
      %gather3A_188 = tpu.dynamic_gather %sort3A_164[%gather3A_187] in [0] : vector<16xf32>, vector<16xi32> -> vector<16xf32>
      %eq3A_189 = arith.cmpi eq, %gather3A_178, %sort3A_163 : vector<16xi32>
      %max3A_190 = arith.maximumf %sort3A_164, %gather3A_188 : vector<16xf32>
      %select_n3A_191 = arith.select %eq3A_189, %max3A_190, %sort3A_164 : vector<16xi1>, vector<16xf32>
      %sub3A_192 = arith.constant 2 : i32
      %sub3A_193 = vector.broadcast %sub3A_192 : i32 to vector<16xi32>
      %sub3A_194 = arith.subi %iota3A, %sub3A_193 : vector<16xi32>
      %max3A_195 = arith.constant 0 : i32
      %max3A_196 = vector.broadcast %max3A_195 : i32 to vector<16xi32>
      %max3A_197 = arith.maxsi %sub3A_194, %max3A_196 : vector<16xi32>
      %lt3A_198 = arith.constant 0 : i32
      %lt3A_199 = vector.broadcast %lt3A_198 : i32 to vector<16xi32>
      %lt3A_200 = arith.cmpi slt, %max3A_197, %lt3A_199 : vector<16xi32>
      %add3A_201 = arith.constant 16 : i32
      %add3A_202 = vector.broadcast %add3A_201 : i32 to vector<16xi32>
      %add3A_203 = arith.addi %max3A_197, %add3A_202 : vector<16xi32>
      %select_n3A_204 = arith.select %lt3A_200, %add3A_203, %max3A_197 : vector<16xi1>, vector<16xi32>
      %broadcast_in_dim3A_205 = vector.shape_cast %select_n3A_204 : vector<16xi32> to vector<16x1xi32>
      %gather3A_206 = vector.shape_cast %broadcast_in_dim3A_205 : vector<16x1xi32> to vector<16xi32>
      %gather3A_207 = tpu.dynamic_gather %sort3A_163[%gather3A_206] in [0] : vector<16xi32>, vector<16xi32> -> vector<16xi32>
      %lt3A_208 = arith.constant 0 : i32
      %lt3A_209 = vector.broadcast %lt3A_208 : i32 to vector<16xi32>
      %lt3A_210 = arith.cmpi slt, %max3A_197, %lt3A_209 : vector<16xi32>
      %add3A_211 = arith.constant 16 : i32
      %add3A_212 = vector.broadcast %add3A_211 : i32 to vector<16xi32>
      %add3A_213 = arith.addi %max3A_197, %add3A_212 : vector<16xi32>
      %select_n3A_214 = arith.select %lt3A_210, %add3A_213, %max3A_197 : vector<16xi1>, vector<16xi32>
      %broadcast_in_dim3A_215 = vector.shape_cast %select_n3A_214 : vector<16xi32> to vector<16x1xi32>
      %gather3A_216 = vector.shape_cast %broadcast_in_dim3A_215 : vector<16x1xi32> to vector<16xi32>
      %gather3A_217 = tpu.dynamic_gather %select_n3A_191[%gather3A_216] in [0] : vector<16xf32>, vector<16xi32> -> vector<16xf32>
      %eq3A_218 = arith.cmpi eq, %gather3A_207, %sort3A_163 : vector<16xi32>
      %max3A_219 = arith.maximumf %select_n3A_191, %gather3A_217 : vector<16xf32>
      %select_n3A_220 = arith.select %eq3A_218, %max3A_219, %select_n3A_191 : vector<16xi1>, vector<16xf32>
      %sub3A_221 = arith.constant 4 : i32
      %sub3A_222 = vector.broadcast %sub3A_221 : i32 to vector<16xi32>
      %sub3A_223 = arith.subi %iota3A, %sub3A_222 : vector<16xi32>
      %max3A_224 = arith.constant 0 : i32
      %max3A_225 = vector.broadcast %max3A_224 : i32 to vector<16xi32>
      %max3A_226 = arith.maxsi %sub3A_223, %max3A_225 : vector<16xi32>
      %lt3A_227 = arith.constant 0 : i32
      %lt3A_228 = vector.broadcast %lt3A_227 : i32 to vector<16xi32>
      %lt3A_229 = arith.cmpi slt, %max3A_226, %lt3A_228 : vector<16xi32>
      %add3A_230 = arith.constant 16 : i32
      %add3A_231 = vector.broadcast %add3A_230 : i32 to vector<16xi32>
      %add3A_232 = arith.addi %max3A_226, %add3A_231 : vector<16xi32>
      %select_n3A_233 = arith.select %lt3A_229, %add3A_232, %max3A_226 : vector<16xi1>, vector<16xi32>
      %broadcast_in_dim3A_234 = vector.shape_cast %select_n3A_233 : vector<16xi32> to vector<16x1xi32>
      %gather3A_235 = vector.shape_cast %broadcast_in_dim3A_234 : vector<16x1xi32> to vector<16xi32>
      %gather3A_236 = tpu.dynamic_gather %sort3A_163[%gather3A_235] in [0] : vector<16xi32>, vector<16xi32> -> vector<16xi32>
      %lt3A_237 = arith.constant 0 : i32
      %lt3A_238 = vector.broadcast %lt3A_237 : i32 to vector<16xi32>
      %lt3A_239 = arith.cmpi slt, %max3A_226, %lt3A_238 : vector<16xi32>
      %add3A_240 = arith.constant 16 : i32
      %add3A_241 = vector.broadcast %add3A_240 : i32 to vector<16xi32>
      %add3A_242 = arith.addi %max3A_226, %add3A_241 : vector<16xi32>
      %select_n3A_243 = arith.select %lt3A_239, %add3A_242, %max3A_226 : vector<16xi1>, vector<16xi32>
      %broadcast_in_dim3A_244 = vector.shape_cast %select_n3A_243 : vector<16xi32> to vector<16x1xi32>
      %gather3A_245 = vector.shape_cast %broadcast_in_dim3A_244 : vector<16x1xi32> to vector<16xi32>
      %gather3A_246 = tpu.dynamic_gather %select_n3A_220[%gather3A_245] in [0] : vector<16xf32>, vector<16xi32> -> vector<16xf32>
      %eq3A_247 = arith.cmpi eq, %gather3A_236, %sort3A_163 : vector<16xi32>
      %max3A_248 = arith.maximumf %select_n3A_220, %gather3A_246 : vector<16xf32>
      %select_n3A_249 = arith.select %eq3A_247, %max3A_248, %select_n3A_220 : vector<16xi1>, vector<16xf32>
      %sub3A_250 = arith.constant 8 : i32
      %sub3A_251 = vector.broadcast %sub3A_250 : i32 to vector<16xi32>
      %sub3A_252 = arith.subi %iota3A, %sub3A_251 : vector<16xi32>
      %max3A_253 = arith.constant 0 : i32
      %max3A_254 = vector.broadcast %max3A_253 : i32 to vector<16xi32>
      %max3A_255 = arith.maxsi %sub3A_252, %max3A_254 : vector<16xi32>
      %lt3A_256 = arith.constant 0 : i32
      %lt3A_257 = vector.broadcast %lt3A_256 : i32 to vector<16xi32>
      %lt3A_258 = arith.cmpi slt, %max3A_255, %lt3A_257 : vector<16xi32>
      %add3A_259 = arith.constant 16 : i32
      %add3A_260 = vector.broadcast %add3A_259 : i32 to vector<16xi32>
      %add3A_261 = arith.addi %max3A_255, %add3A_260 : vector<16xi32>
      %select_n3A_262 = arith.select %lt3A_258, %add3A_261, %max3A_255 : vector<16xi1>, vector<16xi32>
      %broadcast_in_dim3A_263 = vector.shape_cast %select_n3A_262 : vector<16xi32> to vector<16x1xi32>
      %gather3A_264 = vector.shape_cast %broadcast_in_dim3A_263 : vector<16x1xi32> to vector<16xi32>
      %gather3A_265 = tpu.dynamic_gather %sort3A_163[%gather3A_264] in [0] : vector<16xi32>, vector<16xi32> -> vector<16xi32>
      %lt3A_266 = arith.constant 0 : i32
      %lt3A_267 = vector.broadcast %lt3A_266 : i32 to vector<16xi32>
      %lt3A_268 = arith.cmpi slt, %max3A_255, %lt3A_267 : vector<16xi32>
      %add3A_269 = arith.constant 16 : i32
      %add3A_270 = vector.broadcast %add3A_269 : i32 to vector<16xi32>
      %add3A_271 = arith.addi %max3A_255, %add3A_270 : vector<16xi32>
      %select_n3A_272 = arith.select %lt3A_268, %add3A_271, %max3A_255 : vector<16xi1>, vector<16xi32>
      %broadcast_in_dim3A_273 = vector.shape_cast %select_n3A_272 : vector<16xi32> to vector<16x1xi32>
      %gather3A_274 = vector.shape_cast %broadcast_in_dim3A_273 : vector<16x1xi32> to vector<16xi32>
      %gather3A_275 = tpu.dynamic_gather %select_n3A_249[%gather3A_274] in [0] : vector<16xf32>, vector<16xi32> -> vector<16xf32>
      %eq3A_276 = arith.cmpi eq, %gather3A_265, %sort3A_163 : vector<16xi32>
      %max3A_277 = arith.maximumf %select_n3A_249, %gather3A_275 : vector<16xf32>
      %select_n3A_278 = arith.select %eq3A_276, %max3A_277, %select_n3A_249 : vector<16xi1>, vector<16xf32>
      %add3A_279 = arith.constant 1 : i32
      %add3A_280 = vector.broadcast %add3A_279 : i32 to vector<16xi32>
      %add3A_281 = arith.addi %iota3A, %add3A_280 : vector<16xi32>
      %min3A = arith.constant 15 : i32
      %min3A_282 = vector.broadcast %min3A : i32 to vector<16xi32>
      %min3A_283 = arith.minsi %add3A_281, %min3A_282 : vector<16xi32>
      %lt3A_284 = arith.constant 0 : i32
      %lt3A_285 = vector.broadcast %lt3A_284 : i32 to vector<16xi32>
      %lt3A_286 = arith.cmpi slt, %min3A_283, %lt3A_285 : vector<16xi32>
      %add3A_287 = arith.constant 16 : i32
      %add3A_288 = vector.broadcast %add3A_287 : i32 to vector<16xi32>
      %add3A_289 = arith.addi %min3A_283, %add3A_288 : vector<16xi32>
      %select_n3A_290 = arith.select %lt3A_286, %add3A_289, %min3A_283 : vector<16xi1>, vector<16xi32>
      %broadcast_in_dim3A_291 = vector.shape_cast %select_n3A_290 : vector<16xi32> to vector<16x1xi32>
      %gather3A_292 = vector.shape_cast %broadcast_in_dim3A_291 : vector<16x1xi32> to vector<16xi32>
      %gather3A_293 = tpu.dynamic_gather %sort3A_163[%gather3A_292] in [0] : vector<16xi32>, vector<16xi32> -> vector<16xi32>
      %ne3A_294 = arith.cmpi ne, %gather3A_293, %sort3A_163 : vector<16xi32>
      %eq3A_295 = arith.constant 15 : i32
      %eq3A_296 = vector.broadcast %eq3A_295 : i32 to vector<16xi32>
      %eq3A_297 = arith.cmpi eq, %iota3A, %eq3A_296 : vector<16xi32>
      %or3A = arith.ori %ne3A_294, %eq3A_297 : vector<16xi1>
      %lt3A_298 = arith.constant 12545 : i32
      %lt3A_299 = vector.broadcast %lt3A_298 : i32 to vector<16xi32>
      %lt3A_300 = arith.cmpi slt, %sort3A_163, %lt3A_299 : vector<16xi32>
      %and3A_301 = arith.andi %or3A, %lt3A_300 : vector<16xi1>
      %min3A_302 = arith.constant 12543 : i32
      %min3A_303 = vector.broadcast %min3A_302 : i32 to vector<16xi32>
      %min3A_304 = arith.minsi %sort3A_163, %min3A_303 : vector<16xi32>
      %gather3A_305 = tpu.vector_load_idx %arg7[%min3A_304] masked %and3A_301 : memref<12544xf32, #tpu.memory_space<vmem>>[vector<16xi32>], vector<16xf32>, vector<16xi1>
      %max3A_306 = arith.maximumf %gather3A_305, %select_n3A_278 : vector<16xf32>
      tpu.vector_store_idx %arg7[%min3A_304], %max3A_306 masked %and3A_301 : memref<12544xf32, #tpu.memory_space<vmem>>[vector<16xi32>], vector<16xf32>, vector<16xi1>
      %while3A_307 = arith.constant 0 : i32
      scf.yield %while3A_307 : i32
    }
    %mul3A_147 = arith.constant 100000 : i32
    %mul3A_148 = arith.muli %select_n3A, %mul3A_147 : i32
    %add3A_149 = arith.addi %mul3A_148, %mul3A_32 : i32
    "tpu.region"() ({
      %run_scoped3A = tpu.sem_alloc : memref<!tpu.dma_semaphore, #tpu.memory_space<semaphore_mem>>
      %dma_start3A_153 = arith.constant 0 : i32
      %dma_start3A_154 = tpu.memref_slice %arg7[%dma_start3A_153] : memref<12544xf32, #tpu.memory_space<vmem>> -> memref<12472xf32, #tpu.memory_space<vmem>>
      %dma_start3A_155 = tpu.memref_slice %arg4[%add3A_149] : memref<400000xf32, #tpu.memory_space<hbm>> -> memref<12472xf32, #tpu.memory_space<hbm>>
      %dma_start3A_156 = tpu.memref_slice %arg4[%add3A_149] : memref<400000xf32, #tpu.memory_space<hbm>> -> memref<12472xf32, #tpu.memory_space<hbm>>
      %dma_start3A_157 = arith.constant 0 : i32
      %dma_start3A_158 = tpu.memref_slice %arg7[%dma_start3A_157] : memref<12544xf32, #tpu.memory_space<vmem>> -> memref<12472xf32, #tpu.memory_space<vmem>>
      tpu.enqueue_dma source(%dma_start3A_158 : memref<12472xf32, #tpu.memory_space<vmem>>) target(%dma_start3A_156 : memref<12472xf32, #tpu.memory_space<hbm>>) target_semaphore(%run_scoped3A : memref<!tpu.dma_semaphore, #tpu.memory_space<semaphore_mem>>)
      %dma_wait3A_159 = arith.constant 0 : i32
      %dma_wait3A_160 = tpu.memref_slice %arg7[%dma_wait3A_159] : memref<12544xf32, #tpu.memory_space<vmem>> -> memref<12472xf32, #tpu.memory_space<vmem>>
      %dma_wait3A_161 = tpu.memref_slice %arg4[%add3A_149] : memref<400000xf32, #tpu.memory_space<hbm>> -> memref<12472xf32, #tpu.memory_space<hbm>>
      %dma_wait3A_162 = tpu.memref_slice %arg4[%add3A_149] : memref<400000xf32, #tpu.memory_space<hbm>> -> memref<12472xf32, #tpu.memory_space<hbm>>
      %dma_wait3A_163 = arith.constant 0 : i32
      %dma_wait3A_164 = tpu.memref_slice %arg7[%dma_wait3A_163] : memref<12544xf32, #tpu.memory_space<vmem>> -> memref<12472xf32, #tpu.memory_space<vmem>>
      tpu.wait_dma2 semaphore(%run_scoped3A : memref<!tpu.dma_semaphore, #tpu.memory_space<semaphore_mem>>) src(%dma_wait3A_164 : memref<12472xf32, #tpu.memory_space<vmem>>) dst(%dma_wait3A_162 : memref<12472xf32, #tpu.memory_space<hbm>>)
      tpu.yield
    }) : () -> ()
    %lt3A_150 = arith.constant 7 : i32
    %lt3A_151 = arith.cmpi slt, %select_n3A_30, %lt3A_150 : i32
    %convert_element_type3A = arith.extui %lt3A_151 : i1 to i32
    %cond3A = arith.constant 0 : i32
    %cond3A_152 = arith.cmpi ne, %convert_element_type3A, %cond3A : i32
    scf.if %cond3A_152 {
      %add3A_153 = arith.constant 12472 : i32
      %add3A_154 = arith.addi %add3A_149, %add3A_153 : i32
      "tpu.region"() ({
        %run_scoped3A = tpu.sem_alloc : memref<!tpu.dma_semaphore, #tpu.memory_space<semaphore_mem>>
        %dma_start3A_155 = arith.constant 12472 : i32
        %dma_start3A_156 = tpu.memref_slice %arg7[%dma_start3A_155] : memref<12544xf32, #tpu.memory_space<vmem>> -> memref<32xf32, #tpu.memory_space<vmem>>
        %dma_start3A_157 = tpu.memref_slice %arg4[%add3A_154] : memref<400000xf32, #tpu.memory_space<hbm>> -> memref<32xf32, #tpu.memory_space<hbm>>
        %dma_start3A_158 = tpu.memref_slice %arg4[%add3A_154] : memref<400000xf32, #tpu.memory_space<hbm>> -> memref<32xf32, #tpu.memory_space<hbm>>
        %dma_start3A_159 = arith.constant 12472 : i32
        %dma_start3A_160 = tpu.memref_slice %arg7[%dma_start3A_159] : memref<12544xf32, #tpu.memory_space<vmem>> -> memref<32xf32, #tpu.memory_space<vmem>>
        tpu.enqueue_dma source(%dma_start3A_160 : memref<32xf32, #tpu.memory_space<vmem>>) target(%dma_start3A_158 : memref<32xf32, #tpu.memory_space<hbm>>) target_semaphore(%run_scoped3A : memref<!tpu.dma_semaphore, #tpu.memory_space<semaphore_mem>>)
        %dma_wait3A_161 = arith.constant 12472 : i32
        %dma_wait3A_162 = tpu.memref_slice %arg7[%dma_wait3A_161] : memref<12544xf32, #tpu.memory_space<vmem>> -> memref<32xf32, #tpu.memory_space<vmem>>
        %dma_wait3A_163 = tpu.memref_slice %arg4[%add3A_154] : memref<400000xf32, #tpu.memory_space<hbm>> -> memref<32xf32, #tpu.memory_space<hbm>>
        %dma_wait3A_164 = tpu.memref_slice %arg4[%add3A_154] : memref<400000xf32, #tpu.memory_space<hbm>> -> memref<32xf32, #tpu.memory_space<hbm>>
        %dma_wait3A_165 = arith.constant 12472 : i32
        %dma_wait3A_166 = tpu.memref_slice %arg7[%dma_wait3A_165] : memref<12544xf32, #tpu.memory_space<vmem>> -> memref<32xf32, #tpu.memory_space<vmem>>
        tpu.wait_dma2 semaphore(%run_scoped3A : memref<!tpu.dma_semaphore, #tpu.memory_space<semaphore_mem>>) src(%dma_wait3A_166 : memref<32xf32, #tpu.memory_space<vmem>>) dst(%dma_wait3A_164 : memref<32xf32, #tpu.memory_space<hbm>>)
        tpu.yield
      }) : () -> ()
    } else {
    }
    return
  }
}

module attributes {stable_mosaic.version = 14 : i64} {
  func.func @_matvec_body(%arg0: i32, %arg1: memref<2048x1024xf32, #tpu.memory_space<vmem>>, %arg2: memref<1024x1xf32, #tpu.memory_space<vmem>>, %arg3: memref<1x1xf32, #tpu.memory_space<vmem>>, %arg4: memref<4x4096xi32, #tpu.memory_space<vmem>>, %arg5: memref<2048xf32, #tpu.memory_space<vmem>>, %arg6: memref<2048xi32, #tpu.memory_space<vmem>>) attributes {dimension_semantics = [#tpu.dimension_semantics<arbitrary>], iteration_bounds = array<i64: 8>, scalar_prefetch = 0 : i64, scratch_operands = 0 : i64, tpu.core_type = #tpu.core_type<tc>, window_params = [{transform_indices = @transform_0, window_bounds = array<i64: 2048, 1024>}, {pipeline_mode = #tpu.pipeline_mode<synchronous>, transform_indices = @transform_1, window_bounds = array<i64: 1024, 1>}, {pipeline_mode = #tpu.pipeline_mode<synchronous>, transform_indices = @transform_2, window_bounds = array<i64: 1, 1>}, {pipeline_mode = #tpu.pipeline_mode<synchronous>, transform_indices = @transform_3, window_bounds = array<i64: 4, 4096>}, {transform_indices = @transform_4, window_bounds = array<i64: 2048>}, {transform_indices = @transform_5, window_bounds = array<i64: 2048>}]} {
    %get3A = arith.constant 0 : index
    %get3A_0 = arith.constant 0 : index
    %get3A_1 = vector.load %arg1[%get3A, %get3A_0] : memref<2048x1024xf32, #tpu.memory_space<vmem>>, vector<2048x1024xf32>
    %get3A_2 = arith.constant 0 : index
    %get3A_3 = arith.constant 0 : index
    %get3A_4 = vector.load %arg2[%get3A_2, %get3A_3] : memref<1024x1xf32, #tpu.memory_space<vmem>>, vector<1024x1xf32>
    %dot_general3A = arith.constant dense<0.000000e+00> : vector<2048x1xf32>
    %dot_general3A_5 = tpu.matmul %get3A_1, %get3A_4, %dot_general3A {dimension_numbers = #tpu.dot_dimension_numbers<[1], [0], [0], [1], [0, 0, 1, 1], [], []>, transpose_lhs_hint = false} : vector<2048x1024xf32>, vector<1024x1xf32>, vector<2048x1xf32> -> vector<2048x1xf32>
    %get3A_6 = arith.constant 0 : index
    %get3A_7 = arith.constant 0 : index
    %get3A_8 = vector.load %arg3[%get3A_6, %get3A_7] : memref<1x1xf32, #tpu.memory_space<vmem>>, vector<1x1xf32>
    %get3A_9 = vector.extract %get3A_8[0, 0] : f32 from vector<1x1xf32>
    %add3A = vector.broadcast %get3A_9 : f32 to vector<2048x1xf32>
    %add3A_10 = arith.addf %dot_general3A_5, %add3A : vector<2048x1xf32>
    %max3A = arith.constant 0.000000e+00 : f32
    %max3A_11 = vector.broadcast %max3A : f32 to vector<2048x1xf32>
    %max3A_12 = arith.maximumf %add3A_10, %max3A_11 : vector<2048x1xf32>
    %reshape3A = vector.shape_cast %max3A_12 : vector<2048x1xf32> to vector<2048xf32>
    %swap3A = arith.constant 0 : index
    %swap3A_13 = vector.load %arg5[%swap3A] : memref<2048xf32, #tpu.memory_space<vmem>>, vector<2048xf32>
    tpu.vector_store %arg5[%swap3A], %reshape3A {strides = array<i32>} : memref<2048xf32, #tpu.memory_space<vmem>>, vector<2048xf32>,
    %jit3A = arith.constant 2 : i32
    %div3A = arith.divsi %arg0, %jit3A : i32
    %sign3A = arith.constant 0 : i32
    %sign3A_14 = arith.cmpi sgt, %arg0, %sign3A : i32
    %sign3A_15 = arith.extui %sign3A_14 : i1 to i32
    %sign3A_16 = arith.constant 0 : i32
    %sign3A_17 = arith.cmpi slt, %arg0, %sign3A_16 : i32
    %sign3A_18 = arith.extui %sign3A_17 : i1 to i32
    %sign3A_19 = arith.subi %sign3A_15, %sign3A_18 : i32
    %sign3A_20 = arith.constant 0 : i32
    %sign3A_21 = arith.cmpi sgt, %jit3A, %sign3A_20 : i32
    %sign3A_22 = arith.extui %sign3A_21 : i1 to i32
    %sign3A_23 = arith.constant 0 : i32
    %sign3A_24 = arith.cmpi slt, %jit3A, %sign3A_23 : i32
    %sign3A_25 = arith.extui %sign3A_24 : i1 to i32
    %sign3A_26 = arith.subi %sign3A_22, %sign3A_25 : i32
    %ne3A = arith.cmpi ne, %sign3A_19, %sign3A_26 : i32
    %rem3A = arith.remsi %arg0, %jit3A : i32
    %ne3A_27 = arith.constant 0 : i32
    %ne3A_28 = arith.cmpi ne, %rem3A, %ne3A_27 : i32
    %and3A = arith.andi %ne3A, %ne3A_28 : i1
    %sub3A = arith.constant 1 : i32
    %sub3A_29 = arith.subi %div3A, %sub3A : i32
    %select_n3A = arith.select %and3A, %sub3A_29, %div3A : i32
    %jit3A_30 = arith.constant 2 : i32
    %eq3A = arith.constant 0 : i32
    %eq3A_31 = arith.cmpi eq, %jit3A_30, %eq3A : i32
    %jit3A_32 = arith.constant 1 : i32
    %select_n3A_33 = arith.select %eq3A_31, %jit3A_32, %jit3A_30 : i32
    %rem3A_34 = arith.remsi %arg0, %select_n3A_33 : i32
    %ne3A_35 = arith.constant 0 : i32
    %ne3A_36 = arith.cmpi ne, %rem3A_34, %ne3A_35 : i32
    %lt3A = arith.constant 0 : i32
    %lt3A_37 = arith.cmpi slt, %rem3A_34, %lt3A : i32
    %lt3A_38 = arith.constant 0 : i32
    %lt3A_39 = arith.cmpi slt, %select_n3A_33, %lt3A_38 : i32
    %ne3A_40 = arith.xori %lt3A_37, %lt3A_39 : i1
    %and3A_41 = arith.andi %ne3A_40, %ne3A_36 : i1
    %add3A_42 = arith.addi %rem3A_34, %select_n3A_33 : i32
    %select_n3A_43 = arith.select %and3A_41, %add3A_42, %rem3A_34 : i32
    %mul3A = arith.constant 2048 : i32
    %mul3A_44 = arith.muli %select_n3A_43, %mul3A : i32
    %get3A_45 = arith.index_cast %select_n3A : i32 to index
    %get3A_46 = arith.index_cast %mul3A_44 : i32 to index
    %get3A_47 = vector.load %arg4[%get3A_45, %get3A_46] : memref<4x4096xi32, #tpu.memory_space<vmem>>, vector<1x2048xi32>
    %get3A_48 = vector.shape_cast %get3A_47 : vector<1x2048xi32> to vector<2048xi32>
    %swap3A_49 = arith.constant 0 : index
    %swap3A_50 = vector.load %arg6[%swap3A_49] : memref<2048xi32, #tpu.memory_space<vmem>>, vector<2048xi32>
    tpu.vector_store %arg6[%swap3A_49], %get3A_48 {strides = array<i32>} : memref<2048xi32, #tpu.memory_space<vmem>>, vector<2048xi32>,
    return
  }
  func.func @transform_0(%arg0: i32) -> (i32, i32) {
    %c0_i32 = arith.constant 0 : i32
    %c0_i32_0 = arith.constant 0 : i32
    return %arg0, %c0_i32 : i32, i32
  }
  func.func @transform_1(%arg0: i32) -> (i32, i32) {
    %c0_i32 = arith.constant 0 : i32
    %c0_i32_0 = arith.constant 0 : i32
    %c0_i32_1 = arith.constant 0 : i32
    return %c0_i32, %c0_i32_0 : i32, i32
  }
  func.func @transform_2(%arg0: i32) -> (i32, i32) {
    %c0_i32 = arith.constant 0 : i32
    %c0_i32_0 = arith.constant 0 : i32
    %c0_i32_1 = arith.constant 0 : i32
    return %c0_i32, %c0_i32_0 : i32, i32
  }
  func.func @transform_3(%arg0: i32) -> (i32, i32) {
    %c0_i32 = arith.constant 0 : i32
    %c0_i32_0 = arith.constant 0 : i32
    %c0_i32_1 = arith.constant 0 : i32
    return %c0_i32, %c0_i32_0 : i32, i32
  }
  func.func @transform_4(%arg0: i32) -> i32 {
    %c0_i32 = arith.constant 0 : i32
    return %arg0 : i32
  }
  func.func @transform_5(%arg0: i32) -> i32 {
    %c0_i32 = arith.constant 0 : i32
    return %arg0 : i32
  }
}

</mosaic_0001>

<sc_bundles>
// kernel: kernel.4.cloned.1.call-start
scs
__scs_entry_jumppad:
0x0: {  	(pc) =	sbr.rel $0x88, $3  }
0x1: {  	(tag) =	ssettag $0x0;
	lr =	simm.s32 $0x1  }
0x2: {  	[smem:$0x3F9D] =	sst lr;
	_ =	strace $0xD0000000  }
0x3: {  	_ = 	snop  }
0x4: {  	_ = 	snop  }
0x5: {  	_ = 	snop  }
0x6: {  	_ = 	snop  }
0x7: {  	_ = 	snop  }
__scs_overlays_trampoline_lowered:
0x8: {  	[smem:$0x3FAC] =	sst s0  }
0x9: {  	[smem:$0x3FAD] =	sst s1  }
0xa: {  	[smem:$0x3FAE] =	sst s2  }
0xb: {  	[smem:$0x3FAF] =	sst s3  }
0xc: {  	[smem:$0x3FB0] =	sst s4  }
0xd: {  	[smem:$0x3FB1] =	sst s5  }
0xe: {  	[smem:$0x3FB2] =	sst s6  }
0xf: {  	[smem:$0x3FB3] =	sst s7  }
0x10: {  	[smem:$0x3FB4] =	sst s8  }
0x11: {  	[smem:$0x3FB5] =	sst s9;
	s0 =	simm.s32 @!p0 $0x0  }
0x12: {  	s1 =	sld [smem:$0x3F9B];
	s0 =	simm.s32 @p0 $0x1  }
0x13: {  	[smem:$0x3FB6] =	sst s0;
	s0 =	simm.s32 @!p1 $0x0  }
0x14: {  	s2 =	sld [smem:$0x3F9A];
	s0 =	simm.s32 @p1 $0x1  }
0x15: {  	[smem:$0x3FB7] =	sst s0;
	s0 =	simm.s32 @!p2 $0x0  }
0x16: {  	s3 =	sld [smem:$0x3FDB];
	s0 =	simm.s32 @p2 $0x1  }
0x17: {  	s4 =	simm.s32 $0x1BF5;
	[smem:$0x3FB9] =	sst s0  }
0x18: {  	s0 =	sld [smem:$0x3F9C];
	_ =	swait.ge [sflag:s4], $0x0  }
0x19: {  	s7 =	sld [smem:$0x3F9D]  }
0x1a: {  	s8 =	sadd.s32 $0xFFFFE003, lr  }
0x1b: {  	s9 =	sadd.s32 $0xFFFFFEF7, lr;
	s5 =	simm.s32 $0xFFFFFFFF;
	p2 =	slt.u32 s8, $0xFFFFF086  }
0x1c: {  	p1 =	slt.u32 s9, $0xF7A;
	s5 =	simm.s32 @!p2 $0x0  }
0x1d: {  	s5 =	simm.s32 @p1 $0x1;
	p0 =	seq.s32 s7, s2  }
0x1e: {  	s7 =	smul.u32 @!p0 $0xF7A, s2;
	p2 =	seq.s32 @!p0 s5, $0x0  }
0x1f: {  	s9 =	smul.u32 $0xF7A, s1;
	s8 =	simm.s32 @!p0 $0x1BF5;
	p2 =	por !p2, p0  }
0x20: {  	[sflag:s8] =	ssyncset.s32 @!p0 $0xFFFFF086;
	s6 =	sadd.s32 @!p0 s3, s7;
	s7 =	simm.s32 @!p0 $0x108  }
0x21: {  	s3 =	sadd.s32 s3, s9;
	s6 =	sadd.s32 @!p0 $0x88, s6;
	s7 =	simm.s32 @p2 $0x1082  }
0x22: {  	[simem:s7], [sflag:s8] =	dma.local @!p0 [hbm:s6], $0xF7A  }
0x23: {  	s9 =	sor.u32 $0xD0000000, s2;
	s6 =	simm.s32 $0x108;
	_ =	swait.ge @!p0 [sflag:s8], $0x0  }
0x24: {  	s3 =	sadd.s32 $0x88, s3;
	s6 =	simm.s32 @!p1 $0x1082;
	[sflag:s4] =	ssyncset.s32 $0xFFFFF086  }
0x25: {  	[simem:s6], [sflag:s4] =	dma.local [hbm:s3], $0xF7A  }
0x26: {  	[smem:$0x3F9D] =	sst s1;
	(tag) =	ssettag s2;
	_ =	strace s9  }
0x27: {  	s1 =	sld [smem:$0x3FAD]  }
0x28: {  	s2 =	sld [smem:$0x3FAE]  }
0x29: {  	s4 =	sld [smem:$0x3FB0]  }
0x2a: {  	p0 =	seq.s32 s5, $0x0;
	s5 =	sld [smem:$0x3FB1]  }
0x2b: {  	s6 =	sld [smem:$0x3FB2]  }
0x2c: {  	s7 =	sld [smem:$0x3FB3]  }
0x2d: {  	s3 =	simm.s32 $0x108;
	s8 =	sld [smem:$0x3FB4]  }
0x2e: {  	s3 =	simm.s32 @!p0 $0x1082;
	s9 =	sld [smem:$0x3FB5]  }
0x2f: {  	lr =	sadd.s32 s0, s3;
	s0 =	sld [smem:$0x3FAC]  }
0x30: {  	s3 =	sld [smem:$0x3FAF]  }
0x31: {  	[smem:$0x3FB8] =	sst s10  }
0x32: {  	s10 =	sld [smem:$0x3FB6];
	_ =	sdelay $0x3  }
0x33: {  	p0 =	seq.s32 s10, $0x1;
	s10 =	sld [smem:$0x3FB8];
	_ =	sdelay $0x3  }
0x34: {  	[smem:$0x3FB8] =	sst s10  }
0x35: {  	s10 =	sld [smem:$0x3FB7];
	_ =	sdelay $0x3  }
0x36: {  	p1 =	seq.s32 s10, $0x1;
	s10 =	sld [smem:$0x3FB8];
	_ =	sdelay $0x3  }
0x37: {  	[smem:$0x3FB8] =	sst s10  }
0x38: {  	s10 =	sld [smem:$0x3FB9]  }
0x39: {  	_ = 	snop;
	(pc) =	sbr.ind lr, $3  }
0x3a: {  	_ = 	snop  }
0x3b: {  	_ = 	snop  }
0x3c: {  	p2 =	seq.s32 s10, $0x1;
	s10 =	sld [smem:$0x3FB8]  }
0x3d: {  	_ =	shalt  }
0x3e: {  	_ =	shalt  }
0x3f: {  	_ =	shalt  }
0x40: {  	_ =	shalt  }
0x41: {  	_ =	shalt  }
0x42: {  	_ =	shalt  }
0x43: {  	_ =	shalt  }
0x44: {  	_ =	shalt  }
0x45: {  	_ =	shalt  }
0x46: {  	_ =	shalt  }
0x47: {  	_ =	shalt  }
0x48: {  	_ =	shalt  }
0x49: {  	_ =	shalt  }
0x4a: {  	_ =	shalt  }
0x4b: {  	_ =	shalt  }
0x4c: {  	_ =	shalt  }
0x4d: {  	_ =	shalt  }
0x4e: {  	_ =	shalt  }
0x4f: {  	_ =	shalt  }
0x50: {  	_ =	shalt  }
0x51: {  	_ =	shalt  }
0x52: {  	_ =	shalt  }
0x53: {  	_ =	shalt  }
0x54: {  	_ =	shalt  }
0x55: {  	_ =	shalt  }
0x56: {  	_ =	shalt  }
0x57: {  	_ =	shalt  }
0x58: {  	_ =	shalt  }
0x59: {  	_ =	shalt  }
0x5a: {  	_ =	shalt  }
0x5b: {  	_ =	shalt  }
0x5c: {  	_ =	shalt  }
0x5d: {  	_ =	shalt  }
0x5e: {  	_ =	shalt  }
0x5f: {  	_ =	shalt  }
0x60: {  	_ =	shalt  }
0x61: {  	_ =	shalt  }
0x62: {  	_ =	shalt  }
0x63: {  	_ =	shalt  }
0x64: {  	_ =	shalt  }
0x65: {  	_ =	shalt  }
0x66: {  	_ =	shalt  }
0x67: {  	_ =	shalt  }
0x68: {  	_ =	shalt  }
0x69: {  	_ =	shalt  }
0x6a: {  	_ =	shalt  }
0x6b: {  	_ =	shalt  }
0x6c: {  	_ =	shalt  }
0x6d: {  	_ =	shalt  }
0x6e: {  	_ =	shalt  }
0x6f: {  	_ =	shalt  }
0x70: {  	_ =	shalt  }
0x71: {  	_ =	shalt  }
0x72: {  	_ =	shalt  }
0x73: {  	_ =	shalt  }
0x74: {  	_ =	shalt  }
0x75: {  	_ =	shalt  }
0x76: {  	_ =	shalt  }
0x77: {  	_ =	shalt  }
0x78: {  	_ =	shalt  }
0x79: {  	_ =	shalt  }
0x7a: {  	_ =	shalt  }
0x7b: {  	_ =	shalt  }
0x7c: {  	_ =	shalt  }
0x7d: {  	_ =	shalt  }
0x7e: {  	_ =	shalt  }
0x7f: {  	_ =	shalt  }
0x80: {  	_ =	shalt  }
0x81: {  	_ =	shalt  }
0x82: {  	_ =	shalt  }
0x83: {  	_ =	shalt  }
0x84: {  	_ =	shalt  }
0x85: {  	_ =	shalt  }
0x86: {  	_ =	shalt  }
0x87: {  	_ =	shalt  }
.Lfunc_end0:
.L_simem_size_0:
called_computation_lowered:
.L_overlay_start_0:
0x88: {  	s2 =	sld [smem:$0x3FD9]  }
0x89: {  	s3 =	sld [smem:$0x3FFE];
	_ =	sdelay $0x1  }
0x8a: {  	s1 =	srdreg.scid  }
0x8b: {  	s0 =	sand.u32 $0x1, s1  }
0x8c: {  	s17 =	sshll.u32 s0, $0xA;
	s2 =	sadd.s32 s3, s2  }
0x8d: {  	s2 =	sadd.s32 s2, s17  }
0x8e: {  	[smem:$0x3FC4] =	sst s2  }
0x8f: {  	_ = 	snop  }
0x90: {  	s2 =	sld [smem:$0x3FD0];
	(tm) =	ssettm $0x1  }
0x91: {  	s18 =	sld [smem:$0x3FFB];
	_ =	sdelay $0x3  }
0x92: {  	_ =	strace s18  }
0x93: {  	s3 =	sld [smem:$0x3FFC];
	_ =	sdelay $0x3  }
0x94: {  	_ =	strace s3  }
0x95: {  	s3 =	sld [smem:$0x3FFD];
	_ =	sdelay $0x3  }
0x96: {  	_ =	strace s3  }
0x97: {  	_ =	strace $0x8FFFFFFF  }
0x98: {  	s19 =	sld [smem:$0x3FDB];
	_ =	sdelay $0x1  }
0x99: {  	s4 =	simm.s32 $_scs_section_size  }
0x9a: {  	s5 =	simm.s32 $_size__tile_overlayer_lowered;
	s6 =	simm.s32 $_tile_overlayer_lowered  }
0x9b: {  	s22 =	simm.s32 $0x1BFF;
	s21 =	sshll.u32 s6, $0x1;
	s3 =	sadd.s32 s4, s19  }
0x9c: {  	s7 =	simm.s32 $0x0;
	s20 =	sshll.u32 s5, $0x1;
	s5 =	sadd.s32 s21, s3  }
0x9d: {  	[timem:s7], [sflag:s22] =	dma.local [hbm:s5], s20  }
0x9e: {  	_ =	swait.ge [sflag:s22], s20  }
0x9f: {  	s4 =	ssub.s32 $0x0, s20;
	[sflag:s22] =	ssyncset.done $0x0  }
0xa0: {  	[sflag:s22] =	ssyncadd.s32 s4;
	_ =	sdelay $0x1  }
0xa1: {  	s23 =	simm.s32 $0x1B8B  }
0xa2: {  	_ =	swait.ge [sflag:s23], $0x1  }
0xa3: {  	[sflag:s23] =	ssyncset.done $0x0  }
0xa4: {  	s25 =	simm.s32 $0x1B8E;
	s24 =	sld [smem:$0x3FFE];
	[sflag:s23] =	ssyncadd.s32 $0xFFFFFFFF  }
0xa5: {  	s26 =	simm.s32 $execute0_lowered;
	[smem:$0x3FD2] =	sst s25  }
0xa6: {  	s5 =	sshll.u32 s26, $0x1;
	_ =	strace $0x80000046;
	[dreg:$0x1] =	wrdreg $0xFFFFFFFF  }
0xa7: {  	s28 =	simm.s32 $_size_execute0_lowered;
	s3 =	sadd.s32 s3, s5;
	[dreg:$0x0] =	wrdreg $0x0  }
0xa8: {  	s5 =	sshll.u32 s28, $0x1;
	[dreg:$0x2] =	wrdreg s3  }
0xa9: {  	[dreg:$0x3] =	wrdreg s5  }
0xaa: {  	[dreg:$0x4] =	wrdreg $0xC0  }
0xab: {  	_ =	task [dreg:s7], $0x5FFFF  }
0xac: {  	[dreg:$0x1] =	wrdreg $0xFFFFFFFF  }
0xad: {  	[dreg:$0x0] =	wrdreg $0x60  }
0xae: {  	[dreg:$0x2] =	wrdreg s2  }
0xaf: {  	[dreg:$0x3] =	wrdreg s24  }
0xb0: {  	[dreg:$0x4] =	wrdreg $0x9  }
0xb1: {  	_ =	task.clear_ibuf [dreg:s7], $0x5FFFF;
	_ =	strace $0x90000046  }
0xb2: {  	s29 =	simm.s32 $0x9;
	_ =	strace $0x80000048  }
0xb3: {  	_ =	swait.ge [sflag:s29], $0x1  }
0xb4: {  	[sflag:s29] =	ssyncadd.s32 $0xFFFFFFFF  }
0xb5: {  	_ =	strace $0x90000048  }
0xb6: {  	_ =	sfence  }
0xb7: {  	s30 =	sld [smem:$0x0];
	_ =	sdelay $0x2  }
0xb8: {  	s31 =	sshll.u32 s1, $0xD;
	s1 =	sshrl.u32 s1, $0x2  }
0xb9: {  	s3 =	sand.u32 $0x4000, s31;
	s1 =	sadd.s32 s1, s30  }
0xba: {  	s0 =	sor.u32 s3, s0;
	s1 =	sshll.u32 s1, $0x11  }
0xbb: {  	s0 =	sor.u32 s1, s0  }
0xbc: {  	s0 =	sadd.s32 $0x8F2B, s0  }
0xbd: {  	[sflag:s0] =	ssyncadd.remote.s32 $0x1  }
0xbe: {  	_ =	sfence.sel $0xFFFF  }
0xbf: {  	[dreg:$0x0] =	wrdreg $0xFFFFFFFF;
	(pc) =	sbr.abs _section_cstart, $3  }
0xc0: {  	[dreg:$0x1] =	wrdreg $0xFFFFFFFF  }
0xc1: {  	_ =	task.clear_ibuf [dreg:s7], $0x2FFFF;
	_ =	strace $0x9FFFFFFF  }
0xc2: {  	(tm) =	ssettm $0x7FFFFFFF  }
0xc3: {  	_ =	shalt  }
tec
execute0_lowered:
.L_overlay_start_1:
0x0: {  	(tag) =	ssettag $0x1  }
0x1: {  	v0 =	vimm.s32 $0xEDCBA987;
	v1 =	vimm.s32 $0x65432100;
	v4 =	vimm.s32 $0xDCBA9876  }
0x2: {  	s0 =	stileid.u32;
	s5 =	rddreg [dreg:$0x0];
	v2 =	vunpack.c.l.s4.s8 v0;
	v3 =	vunpack.c.l.s4.s8 v1;
	v1 =	vimm.s32 $0xE40000  }
0x3: {  	s1 =	srdreg.scid;
	v6 =	vimm.s32 $0x54321000;
	s6 =	rddreg [dreg:$0x1];
	v7 =	vimm.s32 $0x7060504;
	v5 =	vunpack.c.l.s2.s4 v1  }
0x4: {  	vm0 =	vcmask $0x3F30;
	s11 =	simm.s32 $0x2000;
	s12 =	simm.s32 $0x3;
	s13 =	simm.s32 $0x0;
	v4 =	vunpack.c.l.s4.s8 v4;
	v2 =	vunpack.c.0.s8.s32 v2  }
0x5: {  	s2 =	sshll.u32 s0, $0x1;
	s3 =	sand.u32 $0x1, s1;
	v6 =	vunpack.c.l.s4.s8 v6;
	s7 =	sshrl.u32 s0, $0x2;
	v3 =	vunpack.c.0.s8.s32 v3;
	v5 =	vunpack.c.l.s4.s8 v5  }
0x6: {  	v7 =	vunpack.c.0.s8.s32 v7;
	s29 =	sand.u32 $0x6, s2;
	s2 =	simm.s32 $0x0;
	s8 =	sshll.u32 s7, $0x9;
	v4 =	vunpack.c.0.s8.s32 v4;
	v2 =	vand.u32 $0xF, v2  }
0x7: {  	s7 =	smul.u32 $0x186A0, s7;
	s1 =	sor.u32 s3, s29;
	[smem:$0x7FF] =	sst s2;
	v2 =	vcombine.low v3, v2;
	v3 =	vimm.s32 $0x32100000;
	v5 =	vunpack.c.0.s8.s32 v5  }
0x8: {  	s9 =	sadd.s32 s8, s6;
	s3 =	ssub.s32 $0x2, s3;
	v6 =	vunpack.c.0.s8.s32 v6;
	s4 =	smul.u32 $0x30D8, s1;
	v8 =	vunpack.c.l.s4.s8 v3;
	v3 =	vimm.s32 $0xBA987654  }
0x9: {  	p0 =	seq.s32 s1, $0x7;
	s1 =	simm.s32 $0x30B8;
	s10 =	sshrl.u32 s3, $0x1;
	v4 =	vand.u32 $0xF, v4;
	v9 =	vunpack.c.l.s4.s8 v3;
	v3 =	vand.u32 $0x3, v5  }
0xa: {  	s6 =	sadd.s32 $0x1400, s6;
	s1 =	simm.s32 @!p0 $0x30D8;
	s10 =	ssub.s32 s3, s10;
	v5 =	vimm.s32 $0xFFEDCBA9;
	v3 =	vsel vm0, v7, v3;
	v7 =	vimm.s32 $0x87654321  }
.Ltmp0:
0xb: {  	s3 =	sadd.s32 s5, s8;
	s8 =	simm.s32 $0x1000;
	v0 =	vmov s4;
	v5 =	vunpack.c.l.s4.s8 v5;
	v7 =	vunpack.c.l.s4.s8 v7;
	(pc) =	sbr.rel .LBB2_1-.Ltmp0, $4  }
0xc: {  	v1 =	vmov s1;
	s1 =	rddreg [dreg:$0x2];
	_ =	strace $0x80000047;
	s7 =	sadd.s32 s7, s4;
	v4 =	vcombine.low v6, v4;
	v9 =	vunpack.c.0.s8.s32 v9  }
0xd: {  	s4 =	sadd.s32 $0xC00, s9;
	s30 =	sadd.s32 $0x30B8, s7;
	s7 =	sshrl.u32 s7, $0x3;
	v8 =	vunpack.c.0.s8.s32 v8;
	v10 =	vunpack.c.0.s8.s32 v5;
	v11 =	vunpack.c.0.s8.s32 v7  }
0xe: {  	s9 =	simm.s32 $0x1;
	s31 =	sshrl.u32 s30, $0x3;
	s5 =	sadd.s32 s6, s7;
	vm0 =	vcmask $0x3F3C;
	v5 =	vimm.f32 $0.0e+00;
	v9 =	vand.u32 $0xF, v9  }
0xf: {  	s7 =	smax.u32 s10, $0x1;
	s10 =	simm.s32 $0x2;
	s6 =	sadd.s32 s6, s31;
	v7 =	vimm.s32 $0x3101;
	v6 =	vcombine.low v8, v9;
	v8 =	vcombine.low v11, v10  }
.LBB2_12:
0x10: {  	(xrf1) =	vsort.ascd.msk.u32 $0xffff, v10, v9;
	_ =	sdelay $0xd  }
0x11: {  	v9, v10, _ =	vpop (xrf1)  }
0x12: {  	v11 =	vperm.xlane v9, v2;
	v12 =	vperm.xlane v10, v2  }
0x13: {  	v13 =	vperm.xlane v9, v8  }
0x14: {  	vm1 =	veq.s32 v11, v9;
	v11 =	vmax.f32 v10, v12  }
0x15: {  	v60 =	vperm.xlane v9, v4;
	vm2 =	vne.s32 v13, v9;
	v10 =	vsel vm1, v11, v10  }
0x16: {  	vm1 =	vmor vm2, vm0;
	vm2 =	vlt.s32 v9, $0x3101;
	v11 =	vperm.xlane v10, v4  }
0x17: {  	vm1 =	vmand vm2, vm1;
	vm2 =	vlt.s32 v9, $0x30FF  }
0x18: {  	v61 =	vnsel vm2, $0x30FF, v9;
	vm2 =	veq.s32 v60, v9;
	v11 =	vmax.f32 v10, v11  }
0x19: {  	v10 =	vsel vm2, v11, v10  }
0x1a: {  	v11 =	vperm.xlane v9, v6;
	v62 =	vperm.xlane v10, v6;
	_ =	sdelay $0x1  }
0x1b: {  	vm2 =	veq.s32 v11, v9;
	v11 =	vmax.f32 v10, v62  }
0x1c: {  	v63 =	vld.idx.msk [tilespmem:v61+s11+$0x0], vm1;
	v10 =	vsel vm2, v11, v10  }
0x1d: {  	v11 =	vperm.xlane v9, v3;
	v14 =	vperm.xlane v10, v3;
	_ =	sdelay $0x1  }
0x1e: {  	vm2 =	veq.s32 v11, v9;
	v9 =	vmax.f32 v10, v14  }
0x1f: {  	v9 =	vsel vm2, v9, v10  }
0x20: {  	v9 =	vmax.f32 v63, v9  }
0x21: {  	[tilespmem:v61+s11+$0x0] =	vst.idx.msk vm1, v9  }
.LBB2_13:
0x22: {  	[hbm4b:s5+s2] =	stream.linear.scatter [tilespmem:s11], [sflag:$0x3], $0x30B8, $0x38;
	[tilespmem:$0x7300] =	vst v63  }
0x23: {  	_ =	swait.ge [sflag:s12], $0x30B8  }
0x24: {  	s14 =	simm.s32 @!p0 $0x0;
	s13 =	sadd.s32 $0x1, s13;
	[sflag:s12] =	ssyncset.done $0x0  }
0x25: {  	s15 =	simm.s32 @!p0 $0x50B8;
	p1 =	sne.s32 s13, s7;
	[sflag:s12] =	ssyncadd.s32 $0xFFFFCF48  }
0x26: {  	[hbm4b:s6+s14] =	stream.linear.scatter @!p0 [tilespmem:s15], [sflag:$0x3], $0x20, $0x38;
	[tilespmem:$0x7300] =	vst v63  }
.Ltmp1:
0x27: {  	_ = 	snop;
	(pc) =	sbr.rel @!p1 .LBB2_14-.Ltmp1, $4  }
0x28: {  	s14 =	simm.s32 @!p0 $0x3  }
0x29: {  	_ =	swait.ge @!p0 [sflag:s14], $0x20  }
0x2a: {  	[sflag:s14] =	ssyncset.done @!p0 $0x0  }
0x2b: {  	[sflag:s14] =	ssyncadd.s32 @!p0 $0xFFFFFFE0  }
.LBB2_1:
0x2c: {  	[tilespmem:s2], [sflag:$0x1] =	stream.linear.gather [hbm4b:s3+s2], $0x1000, $0x38;
	[tilespmem:$0x7300] =	vst v63  }
0x2d: {  	s14 =	simm.s32 $0x0;
	s15 =	simm.s32 $0x400  }
0x2e: {  	[tilespmem:s8], [sflag:$0x2] =	stream.linear.gather [hbm4b:s4+s2], $0x1000, $0x38;
	[tilespmem:$0x7300] =	vst v63  }
.LBB2_2:
0x2f: {  	p1 =	sne.s32 s15, $0xC000;
	[tilespmem:s14+$0x20F0] =	vst v5  }
0x30: {  	[tilespmem:s14+$0x2000] =	vst v5  }
0x31: {  	[tilespmem:s14+$0x2010] =	vst v5  }
0x32: {  	[tilespmem:s14+$0x2020] =	vst v5  }
0x33: {  	[tilespmem:s14+$0x2030] =	vst v5  }
0x34: {  	[tilespmem:s14+$0x2040] =	vst v5  }
0x35: {  	[tilespmem:s14+$0x2050] =	vst v5  }
0x36: {  	[tilespmem:s14+$0x2060] =	vst v5  }
0x37: {  	[tilespmem:s14+$0x2070] =	vst v5  }
0x38: {  	[tilespmem:s14+$0x2080] =	vst v5  }
0x39: {  	[tilespmem:s14+$0x2090] =	vst v5  }
.Ltmp2:
0x3a: {  	[tilespmem:s14+$0x20A0] =	vst v5;
	(pc) =	sbr.rel @p1 .LBB2_2-.Ltmp2, $4  }
0x3b: {  	[tilespmem:s14+$0x20B0] =	vst v5  }
0x3c: {  	[tilespmem:s14+$0x20C0] =	vst v5  }
0x3d: {  	[tilespmem:s14+$0x20D0] =	vst v5  }
0x3e: {  	[tilespmem:s14+$0x20E0] =	vst v5;
	s14 =	sshra.s32 s15, $0x2;
	s15 =	sadd.s32 $0x400, s15  }
0x3f: {  	[tilespmem:s14+$0x20F0] =	vst v5  }
0x40: {  	[tilespmem:s14+$0x2000] =	vst v5  }
0x41: {  	[tilespmem:s14+$0x2010] =	vst v5  }
0x42: {  	[tilespmem:s14+$0x2020] =	vst v5  }
0x43: {  	[tilespmem:s14+$0x2030] =	vst v5  }
0x44: {  	[tilespmem:s14+$0x2040] =	vst v5  }
0x45: {  	[tilespmem:s14+$0x2050] =	vst v5  }
0x46: {  	[tilespmem:s14+$0x2060] =	vst v5  }
0x47: {  	[tilespmem:s14+$0x2070] =	vst v5  }
0x48: {  	[tilespmem:s14+$0x2080] =	vst v5  }
0x49: {  	[tilespmem:s14+$0x2090] =	vst v5  }
0x4a: {  	[tilespmem:s14+$0x20A0] =	vst v5  }
0x4b: {  	[tilespmem:s14+$0x20B0] =	vst v5  }
0x4c: {  	[tilespmem:s14+$0x20C0] =	vst v5  }
0x4d: {  	[tilespmem:s14+$0x20D0] =	vst v5  }
0x4e: {  	[tilespmem:s14+$0x20E0] =	vst v5  }
0x4f: {  	_ =	swait.ge [sflag:s9], $0x1000  }
0x50: {  	[sflag:s9] =	ssyncset.done $0x0  }
0x51: {  	[sflag:s9] =	ssyncadd.s32 $0xFFFFF000  }
0x52: {  	_ =	swait.ge [sflag:s10], $0x1000  }
0x53: {  	[sflag:s10] =	ssyncset.done $0x0  }
0x54: {  	s31 =	simm.s32 $0x0;
	[sflag:s10] =	ssyncadd.s32 $0xFFFFF000  }
0x55: {  	v9 =	vld [tilespmem:s31+$0x0];
	_ =	sdelay $0x4  }
0x56: {  	v10 =	vld [tilespmem:s31+$0x1000];
	v11 =	vsub.s32 v9, v0  }
0x57: {  	vm2 =	vgt.s32 v9, $0x3;
	vm1 =	vgt.s32 v11, $0xFFFFFFFF  }
0x58: {  	vm3 =	vlt.s32 v11, v1;
	vm1 =	vmand vm1, vm2  }
0x59: {  	s15 =	simm.s32 $0x0;
	vm1 =	vmand vm1, vm3  }
0x5a: {  	[tilespmem:s15+$0x5100] =	vst.msk vm1, v11  }
0x5b: {  	[tilespmem:s15+$0x5980] =	vst.msk vm1, v10  }
0x5c: {  	v9 =	vld [tilespmem:s31+$0x10];
	_ =	sdelay $0x4  }
0x5d: {  	v11 =	vsub.s32 v9, v0;
	vm3 =	vgt.s32 v9, $0x3;
	v9 =	vmpcnt.ones.xlane vm1;
	_ =	sdelay $0x1  }
0x5e: {  	(v2sf) =	vpush v9, $0x0;
	_ =	sdelay $0x4  }
0x5f: {  	v10 =	vld [tilespmem:s31+$0x1010]  }
0x60: {  	vm2 =	vgt.s32 v11, $0xFFFFFFFF  }
0x61: {  	vm2 =	vmand vm2, vm3;
	vm3 =	vlt.s32 v11, v1  }
0x62: {  	vm1 =	vmand vm2, vm3  }
0x63: {  	[tilespmem:s15+$0x6200] =	vst.msk vm1, v11;
	v11 =	vmpcnt.ones.xlane vm1  }
0x64: {  	s16 =	simm.s32 $0x20;
	[tilespmem:s15+$0x6A80] =	vst.msk vm1, v10  }
0x65: {  	s17 =	simm.s32 $0x100;
	s14 =	simm.s32 $0x0;
	v9 =	vld [tilespmem:s16+$0x0];
	(v2sf) =	vpush v11, $0x0  }
.LBB2_4:
0x66: {  	p1 =	sne.s32 s17, $0x3F80;
	v10 =	vld [tilespmem:s16+$0x1000];
	_ =	sdelay $0x2  }
0x67: {  	s18 =	spop (v2sf)  }
0x68: {  	v11 =	vsub.s32 v9, v0;
	s15 =	sadd.s32 s15, s18  }
0x69: {  	vm2 =	vgt.s32 v9, $0x3;
	vm1 =	vgt.s32 v11, $0xFFFFFFFF  }
0x6a: {  	vm3 =	vlt.s32 v11, v1;
	vm1 =	vmand vm1, vm2  }
0x6b: {  	vm1 =	vmand vm1, vm3  }
0x6c: {  	[tilespmem:s15+$0x5100] =	vst.msk vm1, v11;
	v9 =	vmpcnt.ones.xlane vm1  }
0x6d: {  	[tilespmem:s15+$0x5980] =	vst.msk vm1, v10  }
0x6e: {  	v10 =	vld [tilespmem:s16+$0x10];
	(v2sf) =	vpush v9, $0x0  }
0x6f: {  	v9 =	vld [tilespmem:s16+$0x1010];
	_ =	sdelay $0x2  }
0x70: {  	s16 =	spop (v2sf)  }
0x71: {  	v11 =	vsub.s32 v10, v0;
	s14 =	sadd.s32 s14, s16  }
0x72: {  	vm2 =	vgt.s32 v10, $0x3;
	vm1 =	vgt.s32 v11, $0xFFFFFFFF  }
.Ltmp3:
0x73: {  	vm3 =	vlt.s32 v11, v1;
	vm1 =	vmand vm1, vm2;
	(pc) =	sbr.rel @p1 .LBB2_4-.Ltmp3, $4  }
0x74: {  	vm1 =	vmand vm1, vm3  }
0x75: {  	[tilespmem:s14+$0x6200] =	vst.msk vm1, v11;
	v10 =	vmpcnt.ones.xlane vm1  }
0x76: {  	s16 =	sshra.s32 s17, $0x2;
	[tilespmem:s14+$0x6A80] =	vst.msk vm1, v9  }
0x77: {  	s17 =	sadd.s32 $0x80, s17;
	v9 =	vld [tilespmem:s16+$0x0];
	(v2sf) =	vpush v10, $0x0  }
0x78: {  	_ =	sdelay $0x3  }
0x79: {  	v10 =	vld [tilespmem:s16+$0x1000];
	v11 =	vsub.s32 v9, v0  }
0x7a: {  	vm2 =	vgt.s32 v9, $0x3;
	vm1 =	vgt.s32 v11, $0xFFFFFFFF  }
0x7b: {  	s17 =	spop (v2sf);
	vm3 =	vlt.s32 v11, v1;
	vm1 =	vmand vm1, vm2  }
0x7c: {  	s15 =	sadd.s32 s15, s17;
	vm1 =	vmand vm1, vm3  }
0x7d: {  	[tilespmem:s15+$0x5100] =	vst.msk vm1, v11  }
0x7e: {  	[tilespmem:s15+$0x5980] =	vst.msk vm1, v10;
	v10 =	vmpcnt.ones.xlane vm1;
	_ =	sdelay $0x1  }
0x7f: {  	(v2sf) =	vpush v10, $0x0  }
0x80: {  	v9 =	vld [tilespmem:s16+$0x10];
	_ =	sdelay $0x4  }
0x81: {  	v10 =	vsub.s32 v9, v0  }
0x82: {  	vm2 =	vgt.s32 v9, $0x3;
	vm1 =	vgt.s32 v10, $0xFFFFFFFF  }
0x83: {  	vm3 =	vlt.s32 v10, v1;
	vm1 =	vmand vm1, vm2  }
0x84: {  	vm1 =	vmand vm1, vm3  }
0x85: {  	v9 =	vmpcnt.ones.xlane vm1;
	_ =	sdelay $0x1  }
0x86: {  	(v2sf) =	vpush v9, $0x0;
	_ =	sdelay $0x1  }
0x87: {  	s28 =	spop (v2sf)  }
0x88: {  	s18 =	spop (v2sf)  }
0x89: {  	s15 =	sadd.s32 s15, s18  }
0x8a: {  	s18 =	sadd.s32 $0xF, s15  }
0x8b: {  	s29 =	sand.u32 $0xF, s18  }
0x8c: {  	s30 =	sshra.s32 s18, $0x1F;
	p2 =	slt.s32 s18, $0x1;
	p1 =	sne.s32 s29, $0x0  }
0x8d: {  	v9 =	vld [tilespmem:s16+$0x1010];
	s16 =	sshrl.u32 s30, $0x1C;
	p1 =	por !p2, !p1  }
0x8e: {  	s17 =	simm.s32 $0x1;
	s16 =	sadd.s32 s16, s18;
	p1 =	por !p1, !p1  }
0x8f: {  	s16 =	sshra.s32 s16, $0x4;
	s17 =	simm.s32 @!p1 $0x0  }
0x90: {  	s17 =	ssub.s32 s16, s17  }
0x91: {  	p1 =	slt.s32 s17, $0x1  }
.Ltmp4:
0x92: {  	s14 =	sadd.s32 s14, s28;
	(pc) =	sbr.rel @p1 .LBB2_9-.Ltmp4, $4  }
0x93: {  	[tilespmem:s14+$0x6200] =	vst.msk vm1, v10  }
0x94: {  	[tilespmem:s14+$0x6A80] =	vst.msk vm1, v9;
	s31 =	spop (v2sf)  }
0x95: {  	[tilespmem:s15+$0x5100] =	vst v7;
	s14 =	sadd.s32 s14, s31  }
0x96: {  	[tilespmem:s14+$0x6200] =	vst v7  }
0x97: {  	p1 =	sne.s32 s17, $0x1  }
.Ltmp5:
0x98: {  	_ = 	snop;
	(pc) =	sbr.rel @!p1 .LBB2_8-.Ltmp5, $4  }
0x99: {  	s15 =	simm.s32 $0x5980  }
0x9a: {  	s16 =	simm.s32 $0x5100;
	v9 =	vld [tilespmem:s15+$0x0]  }
0x9b: {  	v10 =	vld [tilespmem:s16+$0x0]  }
0x9c: {  	s17 =	sadd.s32 $0xFFFFFFFF, s17  }
.LBB2_7:
0x9d: {  	p1 =	sne.s32 s17, $0x1;
	_ =	sdelay $0x2  }
0x9e: {  	(xrf1) =	vsort.ascd.msk.u32 $0xffff, v10, v9;
	_ =	sdelay $0xd  }
0x9f: {  	v9, v10, _ =	vpop (xrf1)  }
0xa0: {  	v11 =	vperm.xlane v9, v2  }
0xa1: {  	v12 =	vperm.xlane v10, v2;
	v13 =	vperm.xlane v9, v8  }
0xa2: {  	v14 =	vperm.xlane v9, v4  }
0xa3: {  	vm1 =	veq.s32 v11, v9;
	v11 =	vmax.f32 v10, v12;
	vm2 =	vne.s32 v13, v9  }
0xa4: {  	v10 =	vsel vm1, v11, v10;
	vm1 =	vmor vm2, vm0;
	vm2 =	vlt.s32 v9, $0x3101  }
0xa5: {  	v11 =	vperm.xlane v10, v4;
	vm1 =	vmand vm2, vm1;
	vm2 =	vlt.s32 v9, $0x30FF  }
0xa6: {  	v12 =	vnsel vm2, $0x30FF, v9  }
0xa7: {  	vm2 =	veq.s32 v14, v9;
	v11 =	vmax.f32 v10, v11  }
0xa8: {  	v10 =	vsel vm2, v11, v10  }
0xa9: {  	v11 =	vperm.xlane v9, v6;
	v13 =	vperm.xlane v10, v6;
	_ =	sdelay $0x1  }
0xaa: {  	vm2 =	veq.s32 v11, v9;
	v11 =	vmax.f32 v10, v13;
	v13 =	vld.idx.msk [tilespmem:v12+s11+$0x0], vm1  }
0xab: {  	v10 =	vsel vm2, v11, v10  }
0xac: {  	v11 =	vperm.xlane v9, v3;
	v14 =	vperm.xlane v10, v3;
	_ =	sdelay $0x1  }
0xad: {  	vm2 =	veq.s32 v11, v9;
	v9 =	vmax.f32 v10, v14  }
0xae: {  	v9 =	vsel vm2, v9, v10  }
.Ltmp6:
0xaf: {  	v9 =	vmax.f32 v13, v9;
	(pc) =	sbr.rel @p1 .LBB2_7-.Ltmp6, $4  }
0xb0: {  	s15 =	sadd.s32 $0x10, s15;
	[tilespmem:v12+s11+$0x0] =	vst.idx.msk vm1, v9  }
0xb1: {  	s16 =	sadd.s32 $0x10, s16;
	v9 =	vld [tilespmem:s15+$0x0]  }
0xb2: {  	v10 =	vld [tilespmem:s16+$0x0]  }
0xb3: {  	s17 =	sadd.s32 $0xFFFFFFFF, s17  }
.LBB2_8:
0xb4: {  	_ =	sdelay $0x2  }
0xb5: {  	(xrf1) =	vsort.ascd.msk.u32 $0xffff, v10, v9;
	_ =	sdelay $0xd  }
0xb6: {  	v9, v10, _ =	vpop (xrf1)  }
0xb7: {  	v11 =	vperm.xlane v9, v2;
	v12 =	vperm.xlane v10, v2  }
0xb8: {  	v13 =	vperm.xlane v9, v8  }
0xb9: {  	vm1 =	veq.s32 v11, v9;
	v11 =	vmax.f32 v10, v12  }
0xba: {  	v60 =	vperm.xlane v9, v4;
	vm2 =	vne.s32 v13, v9;
	v10 =	vsel vm1, v11, v10  }
0xbb: {  	vm1 =	vmor vm2, vm0;
	vm2 =	vlt.s32 v9, $0x3101;
	v11 =	vperm.xlane v10, v4  }
0xbc: {  	vm1 =	vmand vm2, vm1;
	vm2 =	vlt.s32 v9, $0x30FF  }
0xbd: {  	v61 =	vnsel vm2, $0x30FF, v9;
	vm2 =	veq.s32 v60, v9;
	v11 =	vmax.f32 v10, v11  }
0xbe: {  	v10 =	vsel vm2, v11, v10  }
0xbf: {  	v11 =	vperm.xlane v9, v6;
	v62 =	vperm.xlane v10, v6;
	_ =	sdelay $0x1  }
0xc0: {  	vm2 =	veq.s32 v11, v9;
	v11 =	vmax.f32 v10, v62  }
0xc1: {  	v63 =	vld.idx.msk [tilespmem:v61+s11+$0x0], vm1;
	v10 =	vsel vm2, v11, v10  }
0xc2: {  	v11 =	vperm.xlane v9, v3;
	v14 =	vperm.xlane v10, v3;
	_ =	sdelay $0x1  }
0xc3: {  	vm2 =	veq.s32 v11, v9;
	v9 =	vmax.f32 v10, v14  }
0xc4: {  	v9 =	vsel vm2, v9, v10  }
0xc5: {  	v9 =	vmax.f32 v63, v9  }
0xc6: {  	[tilespmem:v61+s11+$0x0] =	vst.idx.msk vm1, v9  }
.LBB2_9:
0xc7: {  	s14 =	sadd.s32 $0xF, s14  }
0xc8: {  	s15 =	sand.u32 $0xF, s14  }
0xc9: {  	s16 =	sshra.s32 s14, $0x1F;
	p1 =	slt.s32 s14, $0x1;
	p2 =	sne.s32 s15, $0x0  }
0xca: {  	s31 =	sshrl.u32 s16, $0x1C;
	p1 =	por !p1, !p2  }
0xcb: {  	s15 =	simm.s32 $0x1;
	s14 =	sadd.s32 s31, s14;
	p1 =	por !p1, !p1  }
0xcc: {  	s14 =	sshra.s32 s14, $0x4;
	s15 =	simm.s32 @!p1 $0x0  }
0xcd: {  	s16 =	ssub.s32 s14, s15  }
0xce: {  	p1 =	slt.s32 s16, $0x1  }
.Ltmp7:
0xcf: {  	_ = 	snop;
	(pc) =	sbr.rel @p1 .LBB2_13-.Ltmp7, $1  }
0xd0: {  	_ =	sdelay $0x3  }
0xd1: {  	s14 =	simm.s32 $0x6A80  }
0xd2: {  	s15 =	simm.s32 $0x6200;
	p1 =	sne.s32 s16, $0x1;
	v9 =	vld [tilespmem:s14+$0x0]  }
.Ltmp8:
0xd3: {  	v10 =	vld [tilespmem:s15+$0x0];
	(pc) =	sbr.rel @!p1 .LBB2_12-.Ltmp8, $2  }
0xd4: {  	_ =	sdelay $0x2  }
0xd5: {  	s16 =	sadd.s32 $0xFFFFFFFF, s16  }
.LBB2_11:
0xd6: {  	p1 =	sne.s32 s16, $0x1;
	_ =	sdelay $0x2  }
0xd7: {  	(xrf1) =	vsort.ascd.msk.u32 $0xffff, v10, v9;
	_ =	sdelay $0xd  }
0xd8: {  	v9, v10, _ =	vpop (xrf1)  }
0xd9: {  	v11 =	vperm.xlane v9, v2  }
0xda: {  	v12 =	vperm.xlane v10, v2;
	v13 =	vperm.xlane v9, v8  }
0xdb: {  	v14 =	vperm.xlane v9, v4  }
0xdc: {  	vm1 =	veq.s32 v11, v9;
	v11 =	vmax.f32 v10, v12;
	vm2 =	vne.s32 v13, v9  }
0xdd: {  	v10 =	vsel vm1, v11, v10;
	vm1 =	vmor vm2, vm0;
	vm2 =	vlt.s32 v9, $0x3101  }
0xde: {  	v11 =	vperm.xlane v10, v4;
	vm1 =	vmand vm2, vm1;
	vm2 =	vlt.s32 v9, $0x30FF  }
0xdf: {  	v12 =	vnsel vm2, $0x30FF, v9  }
0xe0: {  	vm2 =	veq.s32 v14, v9;
	v11 =	vmax.f32 v10, v11  }
0xe1: {  	v10 =	vsel vm2, v11, v10  }
0xe2: {  	v11 =	vperm.xlane v9, v6;
	v13 =	vperm.xlane v10, v6;
	_ =	sdelay $0x1  }
0xe3: {  	vm2 =	veq.s32 v11, v9;
	v11 =	vmax.f32 v10, v13;
	v13 =	vld.idx.msk [tilespmem:v12+s11+$0x0], vm1  }
0xe4: {  	v10 =	vsel vm2, v11, v10  }
0xe5: {  	v11 =	vperm.xlane v9, v3;
	v14 =	vperm.xlane v10, v3;
	_ =	sdelay $0x1  }
0xe6: {  	vm2 =	veq.s32 v11, v9;
	v9 =	vmax.f32 v10, v14  }
0xe7: {  	v9 =	vsel vm2, v9, v10  }
.Ltmp9:
0xe8: {  	v9 =	vmax.f32 v13, v9;
	(pc) =	sbr.rel @p1 .LBB2_11-.Ltmp9, $4  }
0xe9: {  	s14 =	sadd.s32 $0x10, s14;
	[tilespmem:v12+s11+$0x0] =	vst.idx.msk vm1, v9  }
0xea: {  	s15 =	sadd.s32 $0x10, s15;
	v9 =	vld [tilespmem:s14+$0x0]  }
0xeb: {  	v10 =	vld [tilespmem:s15+$0x0]  }
0xec: {  	s16 =	sadd.s32 $0xFFFFFFFF, s16  }
.Ltmp10:
0xed: {  	_ = 	snop;
	(pc) =	sbr.rel .LBB2_12-.Ltmp10, $1  }
0xee: {  	_ =	sdelay $0x3  }
.LBB2_14:
0xef: {  	_ =	sfence.sel $0x180000  }
0xf0: {  	[bflag:$0x0] =	sbarrier.arrive $0xFFFF  }
0xf1: {  	p0 =	sne.s32 s0, $0x0;
	_ =	strace $0x90000047  }
0xf2: {  	s0 =	sadd.s32 @!p0 $0x100000, s1;
	[bflag:$0x2] =	sbarrier.arrive $0xFFFF  }
0xf3: {  	[sflag:s0] =	ssyncadd.tile.s32 @!p0 $0x1;
	_ =	shalt  }
.Lfunc_end2:
_tile_overlayer_lowered:
.L_overlay_start_2:
0xf4: {  	(tag) =	ssettag $0x2  }
0xf5: {  	s0 =	rddreg [dreg:$0x0];
	s2 =	stileid.u32  }
0xf6: {  	s1 =	rddreg [dreg:$0x1];
	p0 =	sne.s32 s2, $0x0  }
0xf7: {  	s3 =	rddreg [dreg:$0x2];
	[bflag:$0x3] =	sbarrier.arrive $0xFFFF;
	s2 =	simm.s32 @!p0 $0x1C03  }
0xf8: {  	[timem:s3], [sflag:s2] =	dma.local @!p0 [hbm:s0], s1  }
0xf9: {  	s0 =	simm.s32 @!p0 $0x3  }
0xfa: {  	_ =	swait.ge @!p0 [sflag:s0], s1  }
0xfb: {  	s1 =	ssub.s32 @!p0 $0x0, s1;
	[sflag:s0] =	ssyncset.done @!p0 $0x0  }
0xfc: {  	[sflag:s0] =	ssyncadd.s32 @!p0 s1  }
0xfd: {  	[bflag:$0x3] =	sbarrier.arrive $0xFFFF  }
0xfe: {  	_ =	shalt  }

</sc_bundles>
